<compile_context>
chip_gen: v7x
topology: tpu7x:2x2x1
jax: 0.10.2.dev20260603
libtpu: 0.0.44.dev20260713+nightly
codegen_flags: <defaults>
</compile_context>

<pallas_src>
import functools

import jax
import jax.numpy as jnp
from jax import lax
from jax.experimental import pallas as pl
from jax.experimental.pallas import tpu as pltpu
from jax.experimental.pallas import tpu_sc as plsc

BATCH = 16384
TASKS = 16
NC = 2
NS = 16
NW = NC * NS
BPW = BATCH // NW
CHUNK = 128
NCHUNK = BPW // CHUNK
ROWS_PER_BLK = 8
BLKW = ROWS_PER_BLK * TASKS
DATA = 1000000


def _softplus16(w):
    u = jnp.exp(-jnp.abs(w))
    z = u / (u + 2.0)
    z2 = z * z
    poly = 1.0 + z2 * (1.0 / 3.0 + z2 * (1.0 / 5.0 + z2 * (1.0 / 7.0 + z2 * (1.0 / 9.0))))
    return jnp.maximum(w, 0.0) + 2.0 * z * poly


def _sc_body(loss_hbm, idx_hbm, col_hbm, table_hbm, out_hbm,
             idx_v, col_v, loss_v, rows_a, rows_b, acc_v,
             gsem_a, gsem_b, lsem):
    wid = lax.axis_index("s") * NC + lax.axis_index("c")
    pltpu.sync_copy(idx_hbm.at[wid], idx_v)
    lcp = pltpu.async_copy(loss_hbm.at[wid], loss_v, lsem)
    ccp = pltpu.async_copy(col_hbm.at[wid], col_v, lsem)
    bufs = [rows_a, rows_b]
    sems = [gsem_a, gsem_b]
    cps = [None] * NCHUNK
    cps[0] = pltpu.async_copy(table_hbm.at[idx_v.at[0]], rows_a, gsem_a)
    ccp.wait()
    lcp.wait()

    acc = jnp.zeros((TASKS,), jnp.float32)
    for j in range(NCHUNK):
        if j + 1 < NCHUNK:
            cps[j + 1] = pltpu.async_copy(
                table_hbm.at[idx_v.at[j + 1]], bufs[(j + 1) % 2],
                sems[(j + 1) % 2])
        cps[j].wait()
        buf = bufs[j % 2]
        base = j * CHUNK

        def body(k, acc, buf=buf, base=base):
            r = k * 4
            terms = []
            for t in range(4):
                off = pl.multiple_of((base + r + t) * TASKS, 16)
                cols = col_v[pl.ds(off, TASKS)]
                rows = jnp.full((TASKS,), r + t, jnp.int32)
                w = plsc.load_gather(buf, [rows, cols])
                l = loss_v[pl.ds(off, TASKS)]
                terms.append(_softplus16(w) * l)
            return acc + ((terms[0] + terms[1]) + (terms[2] + terms[3]))

        acc = lax.fori_loop(0, CHUNK // 4, body, acc)
    acc_v[...] = acc * (1.0 / BATCH)
    pltpu.sync_copy(acc_v, out_hbm.at[wid])


_sc_partials = functools.partial(
    pl.kernel,
    out_type=jax.ShapeDtypeStruct((NW, TASKS), jnp.float32),
    mesh=plsc.VectorSubcoreMesh(core_axis_name="c", subcore_axis_name="s"),
    compiler_params=pltpu.CompilerParams(needs_layout_passes=False),
    scratch_types=[
        pltpu.VMEM((NCHUNK, CHUNK), jnp.int32),
        pltpu.VMEM((BPW * TASKS,), jnp.int32),
        pltpu.VMEM((BPW * TASKS,), jnp.float32),
        pltpu.VMEM((CHUNK, BLKW), jnp.float32),
        pltpu.VMEM((CHUNK, BLKW), jnp.float32),
        pltpu.VMEM((TASKS,), jnp.float32),
        pltpu.SemaphoreType.DMA,
        pltpu.SemaphoreType.DMA,
        pltpu.SemaphoreType.DMA,
    ],
)(_sc_body)


def _tc_sum_body(x_ref, o_ref):
    o_ref[0, 0] = jnp.sum(x_ref[...])


_tc_sum = pl.pallas_call(
    _tc_sum_body,
    out_shape=jax.ShapeDtypeStruct((1, 1), jnp.float32),
    out_specs=pl.BlockSpec(memory_space=pltpu.SMEM),
)


def kernel(losses, sample_id, weights_table):
    sid = sample_id.astype(jnp.int32)
    idx = jnp.reshape(sid // ROWS_PER_BLK, (NW, NCHUNK, CHUNK))
    cols = ((sid % ROWS_PER_BLK) * TASKS)[:, None] + jnp.arange(
        TASKS, dtype=jnp.int32)[None, :]
    cols = jnp.reshape(cols, (NW, BPW * TASKS))
    loss_r = jnp.reshape(losses, (NW, BPW * TASKS))
    table_r = jnp.reshape(weights_table, (DATA // ROWS_PER_BLK, BLKW))
    partials = _sc_partials(loss_r, idx, cols, table_r)
    total = _tc_sum(partials)
    return total[0, 0]

# --- scband reference (transcript-rebuilt; emitter-appended) ---
"""Pipeline reference for scband-naive-hyper-25563645345825 (READ-ONLY COPY).

The authoritative reference and input builder live on the scoring server;
editing this copy changes nothing except your own understanding.
"""

import jax, jax.numpy as jnp
import numpy as np

DATA_NUM = 1000000
TASK_NUM = 16
BATCH = 16384

def setup_inputs(seed: int = 0) -> dict:
    key = jax.random.key(seed)
    k1, k2, k3 = jax.random.split(key, 3)
    losses = jax.random.uniform(k1, (BATCH, TASK_NUM), dtype=jnp.float32)
    sample_id = jax.random.randint(k2, (BATCH,), 0, DATA_NUM, dtype=jnp.int64 if jax.config.jax_enable_x64 else jnp.int32)
    weights_table = jax.random.normal(k3, (DATA_NUM, TASK_NUM), dtype=jnp.float32)
    return {"losses": losses, "sample_id": sample_id, "weights_table": weights_table}

def reference(losses, sample_id, weights_table):
    # nn.Embedding lookup -> gather rows
    current_weight = jnp.take(weights_table, sample_id, axis=0)  # [B, task_num]
    # Softplus nonlinearity
    current_weight = jax.nn.softplus(current_weight)
    # (w * losses).mean(0).sum()
    final_loss = jnp.sum(jnp.mean(current_weight * losses, axis=0))
    return final_loss

if __name__ == "__main__":
    import jax
    _d = setup_inputs()
    print(jax.jit(kernel)(*tuple(_d.values())))

</pallas_src>

<mosaic_0001>
#map = affine_map<(d0, d1) -> (0, 0)>
#map1 = affine_map<(d0, d1) -> (0, 0, 0)>
module attributes {stable_mosaic.version = 14 : i64} {
  func.func @_sc_body(%arg0: i32, %arg1: i32, %arg2: memref<32x8192xf32, #tpu.memory_space<hbm>>, %arg3: memref<32x4x128xi32, #tpu.memory_space<hbm>>, %arg4: memref<32x8192xi32, #tpu.memory_space<hbm>>, %arg5: memref<125000x128xf32, #tpu.memory_space<hbm>>, %arg6: memref<32x16xf32, #tpu.memory_space<hbm>>, %arg7: memref<4x128xi32, #tpu.memory_space<vmem>>, %arg8: memref<8192xi32, #tpu.memory_space<vmem>>, %arg9: memref<8192xf32, #tpu.memory_space<vmem>>, %arg10: memref<128x128xf32, #tpu.memory_space<vmem>>, %arg11: memref<128x128xf32, #tpu.memory_space<vmem>>, %arg12: memref<16xf32, #tpu.memory_space<vmem>>, %arg13: memref<!tpu.dma_semaphore, #tpu.memory_space<semaphore_mem>>, %arg14: memref<!tpu.dma_semaphore, #tpu.memory_space<semaphore_mem>>, %arg15: memref<!tpu.dma_semaphore, #tpu.memory_space<semaphore_mem>>) attributes {dimension_semantics = [#tpu.dimension_semantics<core_parallel>, #tpu.dimension_semantics<subcore_parallel>], iteration_bounds = array<i64: 2, 16>, scalar_prefetch = 0 : i64, scratch_operands = 9 : i64, tpu.core_type = #tpu.core_type<sc_vector_subcore>, window_params = [{transform_indices = #map}, {transform_indices = #map1}, {transform_indices = #map}, {transform_indices = #map}, {transform_indices = #map}]} {
    %mul3A = arith.constant 2 : i32
    %mul3A_0 = arith.muli %arg1, %mul3A : i32
    %add3A = arith.addi %mul3A_0, %arg0 : i32
    "tpu.region"() ({
      %run_scoped3A = tpu.sem_alloc : memref<!tpu.dma_semaphore, #tpu.memory_space<semaphore_mem>>
      %dma_start3A_107 = arith.constant 0 : i32
      %dma_start3A_108 = arith.constant 0 : i32
      %dma_start3A_109 = tpu.memref_slice %arg3[%add3A, %dma_start3A_107, %dma_start3A_108] : memref<32x4x128xi32, #tpu.memory_space<hbm>> -> memref<1x4x128xi32, #tpu.memory_space<hbm>>
      %dma_start3A_110 = tpu.memref_squeeze %dma_start3A_109 : memref<1x4x128xi32, #tpu.memory_space<hbm>> -> memref<4x128xi32, #tpu.memory_space<hbm>>
      %dma_start3A_111 = arith.constant 0 : i32
      %dma_start3A_112 = arith.constant 0 : i32
      %dma_start3A_113 = tpu.memref_slice %arg3[%add3A, %dma_start3A_111, %dma_start3A_112] : memref<32x4x128xi32, #tpu.memory_space<hbm>> -> memref<1x4x128xi32, #tpu.memory_space<hbm>>
      %dma_start3A_114 = tpu.memref_squeeze %dma_start3A_113 : memref<1x4x128xi32, #tpu.memory_space<hbm>> -> memref<4x128xi32, #tpu.memory_space<hbm>>
      tpu.enqueue_dma source(%dma_start3A_114 : memref<4x128xi32, #tpu.memory_space<hbm>>) target(%arg7 : memref<4x128xi32, #tpu.memory_space<vmem>>) target_semaphore(%run_scoped3A : memref<!tpu.dma_semaphore, #tpu.memory_space<semaphore_mem>>)
      %dma_wait3A_115 = arith.constant 0 : i32
      %dma_wait3A_116 = arith.constant 0 : i32
      %dma_wait3A_117 = tpu.memref_slice %arg3[%add3A, %dma_wait3A_115, %dma_wait3A_116] : memref<32x4x128xi32, #tpu.memory_space<hbm>> -> memref<1x4x128xi32, #tpu.memory_space<hbm>>
      %dma_wait3A_118 = tpu.memref_squeeze %dma_wait3A_117 : memref<1x4x128xi32, #tpu.memory_space<hbm>> -> memref<4x128xi32, #tpu.memory_space<hbm>>
      %dma_wait3A_119 = arith.constant 0 : i32
      %dma_wait3A_120 = arith.constant 0 : i32
      %dma_wait3A_121 = tpu.memref_slice %arg3[%add3A, %dma_wait3A_119, %dma_wait3A_120] : memref<32x4x128xi32, #tpu.memory_space<hbm>> -> memref<1x4x128xi32, #tpu.memory_space<hbm>>
      %dma_wait3A_122 = tpu.memref_squeeze %dma_wait3A_121 : memref<1x4x128xi32, #tpu.memory_space<hbm>> -> memref<4x128xi32, #tpu.memory_space<hbm>>
      tpu.wait_dma2 semaphore(%run_scoped3A : memref<!tpu.dma_semaphore, #tpu.memory_space<semaphore_mem>>) src(%dma_wait3A_122 : memref<4x128xi32, #tpu.memory_space<hbm>>) dst(%arg7 : memref<4x128xi32, #tpu.memory_space<vmem>>)
      tpu.yield
    }) : () -> ()
    %dma_start3A = arith.constant 0 : i32
    %dma_start3A_1 = tpu.memref_slice %arg2[%add3A, %dma_start3A] : memref<32x8192xf32, #tpu.memory_space<hbm>> -> memref<1x8192xf32, #tpu.memory_space<hbm>>
    %dma_start3A_2 = tpu.memref_squeeze %dma_start3A_1 : memref<1x8192xf32, #tpu.memory_space<hbm>> -> memref<8192xf32, #tpu.memory_space<hbm>>
    %dma_start3A_3 = arith.constant 0 : i32
    %dma_start3A_4 = tpu.memref_slice %arg2[%add3A, %dma_start3A_3] : memref<32x8192xf32, #tpu.memory_space<hbm>> -> memref<1x8192xf32, #tpu.memory_space<hbm>>
    %dma_start3A_5 = tpu.memref_squeeze %dma_start3A_4 : memref<1x8192xf32, #tpu.memory_space<hbm>> -> memref<8192xf32, #tpu.memory_space<hbm>>
    tpu.enqueue_dma source(%dma_start3A_5 : memref<8192xf32, #tpu.memory_space<hbm>>) target(%arg9 : memref<8192xf32, #tpu.memory_space<vmem>>) target_semaphore(%arg15 : memref<!tpu.dma_semaphore, #tpu.memory_space<semaphore_mem>>)
    %dma_start3A_6 = arith.constant 0 : i32
    %dma_start3A_7 = tpu.memref_slice %arg4[%add3A, %dma_start3A_6] : memref<32x8192xi32, #tpu.memory_space<hbm>> -> memref<1x8192xi32, #tpu.memory_space<hbm>>
    %dma_start3A_8 = tpu.memref_squeeze %dma_start3A_7 : memref<1x8192xi32, #tpu.memory_space<hbm>> -> memref<8192xi32, #tpu.memory_space<hbm>>
    %dma_start3A_9 = arith.constant 0 : i32
    %dma_start3A_10 = tpu.memref_slice %arg4[%add3A, %dma_start3A_9] : memref<32x8192xi32, #tpu.memory_space<hbm>> -> memref<1x8192xi32, #tpu.memory_space<hbm>>
    %dma_start3A_11 = tpu.memref_squeeze %dma_start3A_10 : memref<1x8192xi32, #tpu.memory_space<hbm>> -> memref<8192xi32, #tpu.memory_space<hbm>>
    tpu.enqueue_dma source(%dma_start3A_11 : memref<8192xi32, #tpu.memory_space<hbm>>) target(%arg8 : memref<8192xi32, #tpu.memory_space<vmem>>) target_semaphore(%arg15 : memref<!tpu.dma_semaphore, #tpu.memory_space<semaphore_mem>>)
    %dma_start3A_12 = arith.constant 0 : i32
    %dma_start3A_13 = arith.constant 0 : i32
    %dma_start3A_14 = tpu.memref_slice %arg7[%dma_start3A_12, %dma_start3A_13] : memref<4x128xi32, #tpu.memory_space<vmem>> -> memref<1x128xi32, #tpu.memory_space<vmem>>
    %dma_start3A_15 = tpu.memref_squeeze %dma_start3A_14 : memref<1x128xi32, #tpu.memory_space<vmem>> -> memref<128xi32, #tpu.memory_space<vmem>>
    %dma_start3A_16 = arith.constant 0 : i32
    %dma_start3A_17 = arith.constant 0 : i32
    %dma_start3A_18 = tpu.memref_slice %arg5[%dma_start3A_16, %dma_start3A_17] : memref<125000x128xf32, #tpu.memory_space<hbm>> -> memref<125000x128xf32, #tpu.memory_space<hbm>>
    tpu.enqueue_indirect_dma source(%dma_start3A_18 : memref<125000x128xf32, #tpu.memory_space<hbm>>) target(%arg10 : memref<128x128xf32, #tpu.memory_space<vmem>>) offsets(%dma_start3A_15 : memref<128xi32, #tpu.memory_space<vmem>>) semaphore(%arg13 : memref<!tpu.dma_semaphore, #tpu.memory_space<semaphore_mem>>)
    %dma_wait3A = arith.constant 0 : i32
    %dma_wait3A_19 = tpu.memref_slice %arg4[%add3A, %dma_wait3A] : memref<32x8192xi32, #tpu.memory_space<hbm>> -> memref<1x8192xi32, #tpu.memory_space<hbm>>
    %dma_wait3A_20 = tpu.memref_squeeze %dma_wait3A_19 : memref<1x8192xi32, #tpu.memory_space<hbm>> -> memref<8192xi32, #tpu.memory_space<hbm>>
    %dma_wait3A_21 = arith.constant 0 : i32
    %dma_wait3A_22 = tpu.memref_slice %arg4[%add3A, %dma_wait3A_21] : memref<32x8192xi32, #tpu.memory_space<hbm>> -> memref<1x8192xi32, #tpu.memory_space<hbm>>
    %dma_wait3A_23 = tpu.memref_squeeze %dma_wait3A_22 : memref<1x8192xi32, #tpu.memory_space<hbm>> -> memref<8192xi32, #tpu.memory_space<hbm>>
    tpu.wait_dma2 semaphore(%arg15 : memref<!tpu.dma_semaphore, #tpu.memory_space<semaphore_mem>>) src(%dma_wait3A_23 : memref<8192xi32, #tpu.memory_space<hbm>>) dst(%arg8 : memref<8192xi32, #tpu.memory_space<vmem>>)
    %dma_wait3A_24 = arith.constant 0 : i32
    %dma_wait3A_25 = tpu.memref_slice %arg2[%add3A, %dma_wait3A_24] : memref<32x8192xf32, #tpu.memory_space<hbm>> -> memref<1x8192xf32, #tpu.memory_space<hbm>>
    %dma_wait3A_26 = tpu.memref_squeeze %dma_wait3A_25 : memref<1x8192xf32, #tpu.memory_space<hbm>> -> memref<8192xf32, #tpu.memory_space<hbm>>
    %dma_wait3A_27 = arith.constant 0 : i32
    %dma_wait3A_28 = tpu.memref_slice %arg2[%add3A, %dma_wait3A_27] : memref<32x8192xf32, #tpu.memory_space<hbm>> -> memref<1x8192xf32, #tpu.memory_space<hbm>>
    %dma_wait3A_29 = tpu.memref_squeeze %dma_wait3A_28 : memref<1x8192xf32, #tpu.memory_space<hbm>> -> memref<8192xf32, #tpu.memory_space<hbm>>
    tpu.wait_dma2 semaphore(%arg15 : memref<!tpu.dma_semaphore, #tpu.memory_space<semaphore_mem>>) src(%dma_wait3A_29 : memref<8192xf32, #tpu.memory_space<hbm>>) dst(%arg9 : memref<8192xf32, #tpu.memory_space<vmem>>)
    %broadcast_in_dim3A = arith.constant 0.000000e+00 : f32
    %broadcast_in_dim3A_30 = vector.broadcast %broadcast_in_dim3A : f32 to vector<16xf32>
    %dma_start3A_31 = arith.constant 1 : i32
    %dma_start3A_32 = arith.constant 0 : i32
    %dma_start3A_33 = tpu.memref_slice %arg7[%dma_start3A_31, %dma_start3A_32] : memref<4x128xi32, #tpu.memory_space<vmem>> -> memref<1x128xi32, #tpu.memory_space<vmem>>
    %dma_start3A_34 = tpu.memref_squeeze %dma_start3A_33 : memref<1x128xi32, #tpu.memory_space<vmem>> -> memref<128xi32, #tpu.memory_space<vmem>>
    %dma_start3A_35 = arith.constant 0 : i32
    %dma_start3A_36 = arith.constant 0 : i32
    %dma_start3A_37 = tpu.memref_slice %arg5[%dma_start3A_35, %dma_start3A_36] : memref<125000x128xf32, #tpu.memory_space<hbm>> -> memref<125000x128xf32, #tpu.memory_space<hbm>>
    tpu.enqueue_indirect_dma source(%dma_start3A_37 : memref<125000x128xf32, #tpu.memory_space<hbm>>) target(%arg11 : memref<128x128xf32, #tpu.memory_space<vmem>>) offsets(%dma_start3A_34 : memref<128xi32, #tpu.memory_space<vmem>>) semaphore(%arg14 : memref<!tpu.dma_semaphore, #tpu.memory_space<semaphore_mem>>)
    %dma_wait3A_38 = arith.constant 0 : i32
    %dma_wait3A_39 = arith.constant 0 : i32
    %dma_wait3A_40 = tpu.memref_slice %arg7[%dma_wait3A_38, %dma_wait3A_39] : memref<4x128xi32, #tpu.memory_space<vmem>> -> memref<1x128xi32, #tpu.memory_space<vmem>>
    %dma_wait3A_41 = tpu.memref_squeeze %dma_wait3A_40 : memref<1x128xi32, #tpu.memory_space<vmem>> -> memref<128xi32, #tpu.memory_space<vmem>>
    %dma_wait3A_42 = arith.constant 0 : i32
    %dma_wait3A_43 = arith.constant 0 : i32
    %dma_wait3A_44 = tpu.memref_slice %arg5[%dma_wait3A_42, %dma_wait3A_43] : memref<125000x128xf32, #tpu.memory_space<hbm>> -> memref<125000x128xf32, #tpu.memory_space<hbm>>
    tpu.wait_indirect_dma semaphore(%arg13 : memref<!tpu.dma_semaphore, #tpu.memory_space<semaphore_mem>>) src(%dma_wait3A_44 : memref<125000x128xf32, #tpu.memory_space<hbm>>) dst(%arg10 : memref<128x128xf32, #tpu.memory_space<vmem>>)
    %scan3A = arith.constant 0 : i32
    %scan3A_45 = arith.constant 32 : i32
    %scan3A_46 = arith.addi %scan3A, %scan3A_45 : i32
    %scan3A_47 = arith.constant 1 : i32
    %scan3A_48 = scf.for %scan3A_107 = %scan3A to %scan3A_46 step %scan3A_47 iter_args(%scan3A_108 = %broadcast_in_dim3A_30) -> (vector<16xf32>)  : i32 {
      %mul3A_109 = arith.constant 4 : i32
      %mul3A_110 = arith.muli %scan3A_107, %mul3A_109 : i32
      %add3A_111 = arith.constant 0 : i32
      %add3A_112 = arith.addi %add3A_111, %mul3A_110 : i32
      %add3A_113 = arith.constant 0 : i32
      %add3A_114 = arith.addi %add3A_112, %add3A_113 : i32
      %mul3A_115 = arith.constant 16 : i32
      %mul3A_116 = arith.muli %add3A_114, %mul3A_115 : i32
      %multiple_of3A = tpu.assume_multiple %mul3A_116, 16 : i32
      %get3A = arith.index_cast %multiple_of3A : i32 to index
      %get3A_117 = tpu.vector_load %arg8[%get3A] {strides = array<i32>} : memref<8192xi32, #tpu.memory_space<vmem>>, vector<16xi32>,
      %add3A_118 = arith.constant 0 : i32
      %add3A_119 = arith.addi %mul3A_110, %add3A_118 : i32
      %broadcast_in_dim3A_120 = vector.broadcast %add3A_119 : i32 to vector<16xi32>
      %gather3A = tpu.vector_load_idx %arg10[%broadcast_in_dim3A_120, %get3A_117] : memref<128x128xf32, #tpu.memory_space<vmem>>[vector<16xi32>, vector<16xi32>], vector<16xf32>,
      %get3A_121 = arith.index_cast %multiple_of3A : i32 to index
      %get3A_122 = tpu.vector_load %arg9[%get3A_121] {strides = array<i32>} : memref<8192xf32, #tpu.memory_space<vmem>>, vector<16xf32>,
      %abs3A = math.absf %gather3A : vector<16xf32>
      %neg3A = arith.constant 0.000000e+00 : f32
      %neg3A_123 = vector.broadcast %neg3A : f32 to vector<16xf32>
      %neg3A_124 = arith.subf %neg3A_123, %abs3A : vector<16xf32>
      %exp3A = math.exp %neg3A_124 : vector<16xf32>
      %add3A_125 = arith.constant 2.000000e+00 : f32
      %add3A_126 = vector.broadcast %add3A_125 : f32 to vector<16xf32>
      %add3A_127 = arith.addf %exp3A, %add3A_126 : vector<16xf32>
      %div3A = arith.divf %exp3A, %add3A_127 : vector<16xf32>
      %mul3A_128 = arith.mulf %div3A, %div3A : vector<16xf32>
      %mul3A_129 = arith.constant 0.111111112 : f32
      %mul3A_130 = vector.broadcast %mul3A_129 : f32 to vector<16xf32>
      %mul3A_131 = arith.mulf %mul3A_128, %mul3A_130 : vector<16xf32>
      %add3A_132 = arith.constant 0.142857149 : f32
      %add3A_133 = vector.broadcast %add3A_132 : f32 to vector<16xf32>
      %add3A_134 = arith.addf %add3A_133, %mul3A_131 : vector<16xf32>
      %mul3A_135 = arith.mulf %mul3A_128, %add3A_134 : vector<16xf32>
      %add3A_136 = arith.constant 2.000000e-01 : f32
      %add3A_137 = vector.broadcast %add3A_136 : f32 to vector<16xf32>
      %add3A_138 = arith.addf %add3A_137, %mul3A_135 : vector<16xf32>
      %mul3A_139 = arith.mulf %mul3A_128, %add3A_138 : vector<16xf32>
      %add3A_140 = arith.constant 0.333333343 : f32
      %add3A_141 = vector.broadcast %add3A_140 : f32 to vector<16xf32>
      %add3A_142 = arith.addf %add3A_141, %mul3A_139 : vector<16xf32>
      %mul3A_143 = arith.mulf %mul3A_128, %add3A_142 : vector<16xf32>
      %add3A_144 = arith.constant 1.000000e+00 : f32
      %add3A_145 = vector.broadcast %add3A_144 : f32 to vector<16xf32>
      %add3A_146 = arith.addf %add3A_145, %mul3A_143 : vector<16xf32>
      %max3A = arith.constant 0.000000e+00 : f32
      %max3A_147 = vector.broadcast %max3A : f32 to vector<16xf32>
      %max3A_148 = arith.maximumf %gather3A, %max3A_147 : vector<16xf32>
      %mul3A_149 = arith.constant 2.000000e+00 : f32
      %mul3A_150 = vector.broadcast %mul3A_149 : f32 to vector<16xf32>
      %mul3A_151 = arith.mulf %mul3A_150, %div3A : vector<16xf32>
      %mul3A_152 = arith.mulf %mul3A_151, %add3A_146 : vector<16xf32>
      %add3A_153 = arith.addf %max3A_148, %mul3A_152 : vector<16xf32>
      %mul3A_154 = arith.mulf %add3A_153, %get3A_122 : vector<16xf32>
      %add3A_155 = arith.constant 0 : i32
      %add3A_156 = arith.addi %add3A_155, %mul3A_110 : i32
      %add3A_157 = arith.constant 1 : i32
      %add3A_158 = arith.addi %add3A_156, %add3A_157 : i32
      %mul3A_159 = arith.constant 16 : i32
      %mul3A_160 = arith.muli %add3A_158, %mul3A_159 : i32
      %multiple_of3A_161 = tpu.assume_multiple %mul3A_160, 16 : i32
      %get3A_162 = arith.index_cast %multiple_of3A_161 : i32 to index
      %get3A_163 = tpu.vector_load %arg8[%get3A_162] {strides = array<i32>} : memref<8192xi32, #tpu.memory_space<vmem>>, vector<16xi32>,
      %add3A_164 = arith.constant 1 : i32
      %add3A_165 = arith.addi %mul3A_110, %add3A_164 : i32
      %broadcast_in_dim3A_166 = vector.broadcast %add3A_165 : i32 to vector<16xi32>
      %gather3A_167 = tpu.vector_load_idx %arg10[%broadcast_in_dim3A_166, %get3A_163] : memref<128x128xf32, #tpu.memory_space<vmem>>[vector<16xi32>, vector<16xi32>], vector<16xf32>,
      %get3A_168 = arith.index_cast %multiple_of3A_161 : i32 to index
      %get3A_169 = tpu.vector_load %arg9[%get3A_168] {strides = array<i32>} : memref<8192xf32, #tpu.memory_space<vmem>>, vector<16xf32>,
      %abs3A_170 = math.absf %gather3A_167 : vector<16xf32>
      %neg3A_171 = arith.constant 0.000000e+00 : f32
      %neg3A_172 = vector.broadcast %neg3A_171 : f32 to vector<16xf32>
      %neg3A_173 = arith.subf %neg3A_172, %abs3A_170 : vector<16xf32>
      %exp3A_174 = math.exp %neg3A_173 : vector<16xf32>
      %add3A_175 = arith.constant 2.000000e+00 : f32
      %add3A_176 = vector.broadcast %add3A_175 : f32 to vector<16xf32>
      %add3A_177 = arith.addf %exp3A_174, %add3A_176 : vector<16xf32>
      %div3A_178 = arith.divf %exp3A_174, %add3A_177 : vector<16xf32>
      %mul3A_179 = arith.mulf %div3A_178, %div3A_178 : vector<16xf32>
      %mul3A_180 = arith.constant 0.111111112 : f32
      %mul3A_181 = vector.broadcast %mul3A_180 : f32 to vector<16xf32>
      %mul3A_182 = arith.mulf %mul3A_179, %mul3A_181 : vector<16xf32>
      %add3A_183 = arith.constant 0.142857149 : f32
      %add3A_184 = vector.broadcast %add3A_183 : f32 to vector<16xf32>
      %add3A_185 = arith.addf %add3A_184, %mul3A_182 : vector<16xf32>
      %mul3A_186 = arith.mulf %mul3A_179, %add3A_185 : vector<16xf32>
      %add3A_187 = arith.constant 2.000000e-01 : f32
      %add3A_188 = vector.broadcast %add3A_187 : f32 to vector<16xf32>
      %add3A_189 = arith.addf %add3A_188, %mul3A_186 : vector<16xf32>
      %mul3A_190 = arith.mulf %mul3A_179, %add3A_189 : vector<16xf32>
      %add3A_191 = arith.constant 0.333333343 : f32
      %add3A_192 = vector.broadcast %add3A_191 : f32 to vector<16xf32>
      %add3A_193 = arith.addf %add3A_192, %mul3A_190 : vector<16xf32>
      %mul3A_194 = arith.mulf %mul3A_179, %add3A_193 : vector<16xf32>
      %add3A_195 = arith.constant 1.000000e+00 : f32
      %add3A_196 = vector.broadcast %add3A_195 : f32 to vector<16xf32>
      %add3A_197 = arith.addf %add3A_196, %mul3A_194 : vector<16xf32>
      %max3A_198 = arith.constant 0.000000e+00 : f32
      %max3A_199 = vector.broadcast %max3A_198 : f32 to vector<16xf32>
      %max3A_200 = arith.maximumf %gather3A_167, %max3A_199 : vector<16xf32>
      %mul3A_201 = arith.constant 2.000000e+00 : f32
      %mul3A_202 = vector.broadcast %mul3A_201 : f32 to vector<16xf32>
      %mul3A_203 = arith.mulf %mul3A_202, %div3A_178 : vector<16xf32>
      %mul3A_204 = arith.mulf %mul3A_203, %add3A_197 : vector<16xf32>
      %add3A_205 = arith.addf %max3A_200, %mul3A_204 : vector<16xf32>
      %mul3A_206 = arith.mulf %add3A_205, %get3A_169 : vector<16xf32>
      %add3A_207 = arith.constant 0 : i32
      %add3A_208 = arith.addi %add3A_207, %mul3A_110 : i32
      %add3A_209 = arith.constant 2 : i32
      %add3A_210 = arith.addi %add3A_208, %add3A_209 : i32
      %mul3A_211 = arith.constant 16 : i32
      %mul3A_212 = arith.muli %add3A_210, %mul3A_211 : i32
      %multiple_of3A_213 = tpu.assume_multiple %mul3A_212, 16 : i32
      %get3A_214 = arith.index_cast %multiple_of3A_213 : i32 to index
      %get3A_215 = tpu.vector_load %arg8[%get3A_214] {strides = array<i32>} : memref<8192xi32, #tpu.memory_space<vmem>>, vector<16xi32>,
      %add3A_216 = arith.constant 2 : i32
      %add3A_217 = arith.addi %mul3A_110, %add3A_216 : i32
      %broadcast_in_dim3A_218 = vector.broadcast %add3A_217 : i32 to vector<16xi32>
      %gather3A_219 = tpu.vector_load_idx %arg10[%broadcast_in_dim3A_218, %get3A_215] : memref<128x128xf32, #tpu.memory_space<vmem>>[vector<16xi32>, vector<16xi32>], vector<16xf32>,
      %get3A_220 = arith.index_cast %multiple_of3A_213 : i32 to index
      %get3A_221 = tpu.vector_load %arg9[%get3A_220] {strides = array<i32>} : memref<8192xf32, #tpu.memory_space<vmem>>, vector<16xf32>,
      %abs3A_222 = math.absf %gather3A_219 : vector<16xf32>
      %neg3A_223 = arith.constant 0.000000e+00 : f32
      %neg3A_224 = vector.broadcast %neg3A_223 : f32 to vector<16xf32>
      %neg3A_225 = arith.subf %neg3A_224, %abs3A_222 : vector<16xf32>
      %exp3A_226 = math.exp %neg3A_225 : vector<16xf32>
      %add3A_227 = arith.constant 2.000000e+00 : f32
      %add3A_228 = vector.broadcast %add3A_227 : f32 to vector<16xf32>
      %add3A_229 = arith.addf %exp3A_226, %add3A_228 : vector<16xf32>
      %div3A_230 = arith.divf %exp3A_226, %add3A_229 : vector<16xf32>
      %mul3A_231 = arith.mulf %div3A_230, %div3A_230 : vector<16xf32>
      %mul3A_232 = arith.constant 0.111111112 : f32
      %mul3A_233 = vector.broadcast %mul3A_232 : f32 to vector<16xf32>
      %mul3A_234 = arith.mulf %mul3A_231, %mul3A_233 : vector<16xf32>
      %add3A_235 = arith.constant 0.142857149 : f32
      %add3A_236 = vector.broadcast %add3A_235 : f32 to vector<16xf32>
      %add3A_237 = arith.addf %add3A_236, %mul3A_234 : vector<16xf32>
      %mul3A_238 = arith.mulf %mul3A_231, %add3A_237 : vector<16xf32>
      %add3A_239 = arith.constant 2.000000e-01 : f32
      %add3A_240 = vector.broadcast %add3A_239 : f32 to vector<16xf32>
      %add3A_241 = arith.addf %add3A_240, %mul3A_238 : vector<16xf32>
      %mul3A_242 = arith.mulf %mul3A_231, %add3A_241 : vector<16xf32>
      %add3A_243 = arith.constant 0.333333343 : f32
      %add3A_244 = vector.broadcast %add3A_243 : f32 to vector<16xf32>
      %add3A_245 = arith.addf %add3A_244, %mul3A_242 : vector<16xf32>
      %mul3A_246 = arith.mulf %mul3A_231, %add3A_245 : vector<16xf32>
      %add3A_247 = arith.constant 1.000000e+00 : f32
      %add3A_248 = vector.broadcast %add3A_247 : f32 to vector<16xf32>
      %add3A_249 = arith.addf %add3A_248, %mul3A_246 : vector<16xf32>
      %max3A_250 = arith.constant 0.000000e+00 : f32
      %max3A_251 = vector.broadcast %max3A_250 : f32 to vector<16xf32>
      %max3A_252 = arith.maximumf %gather3A_219, %max3A_251 : vector<16xf32>
      %mul3A_253 = arith.constant 2.000000e+00 : f32
      %mul3A_254 = vector.broadcast %mul3A_253 : f32 to vector<16xf32>
      %mul3A_255 = arith.mulf %mul3A_254, %div3A_230 : vector<16xf32>
      %mul3A_256 = arith.mulf %mul3A_255, %add3A_249 : vector<16xf32>
      %add3A_257 = arith.addf %max3A_252, %mul3A_256 : vector<16xf32>
      %mul3A_258 = arith.mulf %add3A_257, %get3A_221 : vector<16xf32>
      %add3A_259 = arith.constant 0 : i32
      %add3A_260 = arith.addi %add3A_259, %mul3A_110 : i32
      %add3A_261 = arith.constant 3 : i32
      %add3A_262 = arith.addi %add3A_260, %add3A_261 : i32
      %mul3A_263 = arith.constant 16 : i32
      %mul3A_264 = arith.muli %add3A_262, %mul3A_263 : i32
      %multiple_of3A_265 = tpu.assume_multiple %mul3A_264, 16 : i32
      %get3A_266 = arith.index_cast %multiple_of3A_265 : i32 to index
      %get3A_267 = tpu.vector_load %arg8[%get3A_266] {strides = array<i32>} : memref<8192xi32, #tpu.memory_space<vmem>>, vector<16xi32>,
      %add3A_268 = arith.constant 3 : i32
      %add3A_269 = arith.addi %mul3A_110, %add3A_268 : i32
      %broadcast_in_dim3A_270 = vector.broadcast %add3A_269 : i32 to vector<16xi32>
      %gather3A_271 = tpu.vector_load_idx %arg10[%broadcast_in_dim3A_270, %get3A_267] : memref<128x128xf32, #tpu.memory_space<vmem>>[vector<16xi32>, vector<16xi32>], vector<16xf32>,
      %get3A_272 = arith.index_cast %multiple_of3A_265 : i32 to index
      %get3A_273 = tpu.vector_load %arg9[%get3A_272] {strides = array<i32>} : memref<8192xf32, #tpu.memory_space<vmem>>, vector<16xf32>,
      %abs3A_274 = math.absf %gather3A_271 : vector<16xf32>
      %neg3A_275 = arith.constant 0.000000e+00 : f32
      %neg3A_276 = vector.broadcast %neg3A_275 : f32 to vector<16xf32>
      %neg3A_277 = arith.subf %neg3A_276, %abs3A_274 : vector<16xf32>
      %exp3A_278 = math.exp %neg3A_277 : vector<16xf32>
      %add3A_279 = arith.constant 2.000000e+00 : f32
      %add3A_280 = vector.broadcast %add3A_279 : f32 to vector<16xf32>
      %add3A_281 = arith.addf %exp3A_278, %add3A_280 : vector<16xf32>
      %div3A_282 = arith.divf %exp3A_278, %add3A_281 : vector<16xf32>
      %mul3A_283 = arith.mulf %div3A_282, %div3A_282 : vector<16xf32>
      %mul3A_284 = arith.constant 0.111111112 : f32
      %mul3A_285 = vector.broadcast %mul3A_284 : f32 to vector<16xf32>
      %mul3A_286 = arith.mulf %mul3A_283, %mul3A_285 : vector<16xf32>
      %add3A_287 = arith.constant 0.142857149 : f32
      %add3A_288 = vector.broadcast %add3A_287 : f32 to vector<16xf32>
      %add3A_289 = arith.addf %add3A_288, %mul3A_286 : vector<16xf32>
      %mul3A_290 = arith.mulf %mul3A_283, %add3A_289 : vector<16xf32>
      %add3A_291 = arith.constant 2.000000e-01 : f32
      %add3A_292 = vector.broadcast %add3A_291 : f32 to vector<16xf32>
      %add3A_293 = arith.addf %add3A_292, %mul3A_290 : vector<16xf32>
      %mul3A_294 = arith.mulf %mul3A_283, %add3A_293 : vector<16xf32>
      %add3A_295 = arith.constant 0.333333343 : f32
      %add3A_296 = vector.broadcast %add3A_295 : f32 to vector<16xf32>
      %add3A_297 = arith.addf %add3A_296, %mul3A_294 : vector<16xf32>
      %mul3A_298 = arith.mulf %mul3A_283, %add3A_297 : vector<16xf32>
      %add3A_299 = arith.constant 1.000000e+00 : f32
      %add3A_300 = vector.broadcast %add3A_299 : f32 to vector<16xf32>
      %add3A_301 = arith.addf %add3A_300, %mul3A_298 : vector<16xf32>
      %max3A_302 = arith.constant 0.000000e+00 : f32
      %max3A_303 = vector.broadcast %max3A_302 : f32 to vector<16xf32>
      %max3A_304 = arith.maximumf %gather3A_271, %max3A_303 : vector<16xf32>
      %mul3A_305 = arith.constant 2.000000e+00 : f32
      %mul3A_306 = vector.broadcast %mul3A_305 : f32 to vector<16xf32>
      %mul3A_307 = arith.mulf %mul3A_306, %div3A_282 : vector<16xf32>
      %mul3A_308 = arith.mulf %mul3A_307, %add3A_301 : vector<16xf32>
      %add3A_309 = arith.addf %max3A_304, %mul3A_308 : vector<16xf32>
      %mul3A_310 = arith.mulf %add3A_309, %get3A_273 : vector<16xf32>
      %add3A_311 = arith.addf %mul3A_154, %mul3A_206 : vector<16xf32>
      %add3A_312 = arith.addf %mul3A_258, %mul3A_310 : vector<16xf32>
      %add3A_313 = arith.addf %add3A_311, %add3A_312 : vector<16xf32>
      %add3A_314 = arith.addf %scan3A_108, %add3A_313 : vector<16xf32>
      scf.yield %add3A_314 : vector<16xf32>
    }
    %scan3A_49 = arith.constant 32 : i32
    %dma_start3A_50 = arith.constant 2 : i32
    %dma_start3A_51 = arith.constant 0 : i32
    %dma_start3A_52 = tpu.memref_slice %arg7[%dma_start3A_50, %dma_start3A_51] : memref<4x128xi32, #tpu.memory_space<vmem>> -> memref<1x128xi32, #tpu.memory_space<vmem>>
    %dma_start3A_53 = tpu.memref_squeeze %dma_start3A_52 : memref<1x128xi32, #tpu.memory_space<vmem>> -> memref<128xi32, #tpu.memory_space<vmem>>
    %dma_start3A_54 = arith.constant 0 : i32
    %dma_start3A_55 = arith.constant 0 : i32
    %dma_start3A_56 = tpu.memref_slice %arg5[%dma_start3A_54, %dma_start3A_55] : memref<125000x128xf32, #tpu.memory_space<hbm>> -> memref<125000x128xf32, #tpu.memory_space<hbm>>
    tpu.enqueue_indirect_dma source(%dma_start3A_56 : memref<125000x128xf32, #tpu.memory_space<hbm>>) target(%arg10 : memref<128x128xf32, #tpu.memory_space<vmem>>) offsets(%dma_start3A_53 : memref<128xi32, #tpu.memory_space<vmem>>) semaphore(%arg13 : memref<!tpu.dma_semaphore, #tpu.memory_space<semaphore_mem>>)
    %dma_wait3A_57 = arith.constant 1 : i32
    %dma_wait3A_58 = arith.constant 0 : i32
    %dma_wait3A_59 = tpu.memref_slice %arg7[%dma_wait3A_57, %dma_wait3A_58] : memref<4x128xi32, #tpu.memory_space<vmem>> -> memref<1x128xi32, #tpu.memory_space<vmem>>
    %dma_wait3A_60 = tpu.memref_squeeze %dma_wait3A_59 : memref<1x128xi32, #tpu.memory_space<vmem>> -> memref<128xi32, #tpu.memory_space<vmem>>
    %dma_wait3A_61 = arith.constant 0 : i32
    %dma_wait3A_62 = arith.constant 0 : i32
    %dma_wait3A_63 = tpu.memref_slice %arg5[%dma_wait3A_61, %dma_wait3A_62] : memref<125000x128xf32, #tpu.memory_space<hbm>> -> memref<125000x128xf32, #tpu.memory_space<hbm>>
    tpu.wait_indirect_dma semaphore(%arg14 : memref<!tpu.dma_semaphore, #tpu.memory_space<semaphore_mem>>) src(%dma_wait3A_63 : memref<125000x128xf32, #tpu.memory_space<hbm>>) dst(%arg11 : memref<128x128xf32, #tpu.memory_space<vmem>>)
    %scan3A_64 = arith.constant 0 : i32
    %scan3A_65 = arith.constant 32 : i32
    %scan3A_66 = arith.addi %scan3A_64, %scan3A_65 : i32
    %scan3A_67 = arith.constant 1 : i32
    %scan3A_68 = scf.for %scan3A_107 = %scan3A_64 to %scan3A_66 step %scan3A_67 iter_args(%scan3A_108 = %scan3A_48) -> (vector<16xf32>)  : i32 {
      %mul3A_109 = arith.constant 4 : i32
      %mul3A_110 = arith.muli %scan3A_107, %mul3A_109 : i32
      %add3A_111 = arith.constant 128 : i32
      %add3A_112 = arith.addi %add3A_111, %mul3A_110 : i32
      %add3A_113 = arith.constant 0 : i32
      %add3A_114 = arith.addi %add3A_112, %add3A_113 : i32
      %mul3A_115 = arith.constant 16 : i32
      %mul3A_116 = arith.muli %add3A_114, %mul3A_115 : i32
      %multiple_of3A = tpu.assume_multiple %mul3A_116, 16 : i32
      %get3A = arith.index_cast %multiple_of3A : i32 to index
      %get3A_117 = tpu.vector_load %arg8[%get3A] {strides = array<i32>} : memref<8192xi32, #tpu.memory_space<vmem>>, vector<16xi32>,
      %add3A_118 = arith.constant 0 : i32
      %add3A_119 = arith.addi %mul3A_110, %add3A_118 : i32
      %broadcast_in_dim3A_120 = vector.broadcast %add3A_119 : i32 to vector<16xi32>
      %gather3A = tpu.vector_load_idx %arg11[%broadcast_in_dim3A_120, %get3A_117] : memref<128x128xf32, #tpu.memory_space<vmem>>[vector<16xi32>, vector<16xi32>], vector<16xf32>,
      %get3A_121 = arith.index_cast %multiple_of3A : i32 to index
      %get3A_122 = tpu.vector_load %arg9[%get3A_121] {strides = array<i32>} : memref<8192xf32, #tpu.memory_space<vmem>>, vector<16xf32>,
      %abs3A = math.absf %gather3A : vector<16xf32>
      %neg3A = arith.constant 0.000000e+00 : f32
      %neg3A_123 = vector.broadcast %neg3A : f32 to vector<16xf32>
      %neg3A_124 = arith.subf %neg3A_123, %abs3A : vector<16xf32>
      %exp3A = math.exp %neg3A_124 : vector<16xf32>
      %add3A_125 = arith.constant 2.000000e+00 : f32
      %add3A_126 = vector.broadcast %add3A_125 : f32 to vector<16xf32>
      %add3A_127 = arith.addf %exp3A, %add3A_126 : vector<16xf32>
      %div3A = arith.divf %exp3A, %add3A_127 : vector<16xf32>
      %mul3A_128 = arith.mulf %div3A, %div3A : vector<16xf32>
      %mul3A_129 = arith.constant 0.111111112 : f32
      %mul3A_130 = vector.broadcast %mul3A_129 : f32 to vector<16xf32>
      %mul3A_131 = arith.mulf %mul3A_128, %mul3A_130 : vector<16xf32>
      %add3A_132 = arith.constant 0.142857149 : f32
      %add3A_133 = vector.broadcast %add3A_132 : f32 to vector<16xf32>
      %add3A_134 = arith.addf %add3A_133, %mul3A_131 : vector<16xf32>
      %mul3A_135 = arith.mulf %mul3A_128, %add3A_134 : vector<16xf32>
      %add3A_136 = arith.constant 2.000000e-01 : f32
      %add3A_137 = vector.broadcast %add3A_136 : f32 to vector<16xf32>
      %add3A_138 = arith.addf %add3A_137, %mul3A_135 : vector<16xf32>
      %mul3A_139 = arith.mulf %mul3A_128, %add3A_138 : vector<16xf32>
      %add3A_140 = arith.constant 0.333333343 : f32
      %add3A_141 = vector.broadcast %add3A_140 : f32 to vector<16xf32>
      %add3A_142 = arith.addf %add3A_141, %mul3A_139 : vector<16xf32>
      %mul3A_143 = arith.mulf %mul3A_128, %add3A_142 : vector<16xf32>
      %add3A_144 = arith.constant 1.000000e+00 : f32
      %add3A_145 = vector.broadcast %add3A_144 : f32 to vector<16xf32>
      %add3A_146 = arith.addf %add3A_145, %mul3A_143 : vector<16xf32>
      %max3A = arith.constant 0.000000e+00 : f32
      %max3A_147 = vector.broadcast %max3A : f32 to vector<16xf32>
      %max3A_148 = arith.maximumf %gather3A, %max3A_147 : vector<16xf32>
      %mul3A_149 = arith.constant 2.000000e+00 : f32
      %mul3A_150 = vector.broadcast %mul3A_149 : f32 to vector<16xf32>
      %mul3A_151 = arith.mulf %mul3A_150, %div3A : vector<16xf32>
      %mul3A_152 = arith.mulf %mul3A_151, %add3A_146 : vector<16xf32>
      %add3A_153 = arith.addf %max3A_148, %mul3A_152 : vector<16xf32>
      %mul3A_154 = arith.mulf %add3A_153, %get3A_122 : vector<16xf32>
      %add3A_155 = arith.constant 128 : i32
      %add3A_156 = arith.addi %add3A_155, %mul3A_110 : i32
      %add3A_157 = arith.constant 1 : i32
      %add3A_158 = arith.addi %add3A_156, %add3A_157 : i32
      %mul3A_159 = arith.constant 16 : i32
      %mul3A_160 = arith.muli %add3A_158, %mul3A_159 : i32
      %multiple_of3A_161 = tpu.assume_multiple %mul3A_160, 16 : i32
      %get3A_162 = arith.index_cast %multiple_of3A_161 : i32 to index
      %get3A_163 = tpu.vector_load %arg8[%get3A_162] {strides = array<i32>} : memref<8192xi32, #tpu.memory_space<vmem>>, vector<16xi32>,
      %add3A_164 = arith.constant 1 : i32
      %add3A_165 = arith.addi %mul3A_110, %add3A_164 : i32
      %broadcast_in_dim3A_166 = vector.broadcast %add3A_165 : i32 to vector<16xi32>
      %gather3A_167 = tpu.vector_load_idx %arg11[%broadcast_in_dim3A_166, %get3A_163] : memref<128x128xf32, #tpu.memory_space<vmem>>[vector<16xi32>, vector<16xi32>], vector<16xf32>,
      %get3A_168 = arith.index_cast %multiple_of3A_161 : i32 to index
      %get3A_169 = tpu.vector_load %arg9[%get3A_168] {strides = array<i32>} : memref<8192xf32, #tpu.memory_space<vmem>>, vector<16xf32>,
      %abs3A_170 = math.absf %gather3A_167 : vector<16xf32>
      %neg3A_171 = arith.constant 0.000000e+00 : f32
      %neg3A_172 = vector.broadcast %neg3A_171 : f32 to vector<16xf32>
      %neg3A_173 = arith.subf %neg3A_172, %abs3A_170 : vector<16xf32>
      %exp3A_174 = math.exp %neg3A_173 : vector<16xf32>
      %add3A_175 = arith.constant 2.000000e+00 : f32
      %add3A_176 = vector.broadcast %add3A_175 : f32 to vector<16xf32>
      %add3A_177 = arith.addf %exp3A_174, %add3A_176 : vector<16xf32>
      %div3A_178 = arith.divf %exp3A_174, %add3A_177 : vector<16xf32>
      %mul3A_179 = arith.mulf %div3A_178, %div3A_178 : vector<16xf32>
      %mul3A_180 = arith.constant 0.111111112 : f32
      %mul3A_181 = vector.broadcast %mul3A_180 : f32 to vector<16xf32>
      %mul3A_182 = arith.mulf %mul3A_179, %mul3A_181 : vector<16xf32>
      %add3A_183 = arith.constant 0.142857149 : f32
      %add3A_184 = vector.broadcast %add3A_183 : f32 to vector<16xf32>
      %add3A_185 = arith.addf %add3A_184, %mul3A_182 : vector<16xf32>
      %mul3A_186 = arith.mulf %mul3A_179, %add3A_185 : vector<16xf32>
      %add3A_187 = arith.constant 2.000000e-01 : f32
      %add3A_188 = vector.broadcast %add3A_187 : f32 to vector<16xf32>
      %add3A_189 = arith.addf %add3A_188, %mul3A_186 : vector<16xf32>
      %mul3A_190 = arith.mulf %mul3A_179, %add3A_189 : vector<16xf32>
      %add3A_191 = arith.constant 0.333333343 : f32
      %add3A_192 = vector.broadcast %add3A_191 : f32 to vector<16xf32>
      %add3A_193 = arith.addf %add3A_192, %mul3A_190 : vector<16xf32>
      %mul3A_194 = arith.mulf %mul3A_179, %add3A_193 : vector<16xf32>
      %add3A_195 = arith.constant 1.000000e+00 : f32
      %add3A_196 = vector.broadcast %add3A_195 : f32 to vector<16xf32>
      %add3A_197 = arith.addf %add3A_196, %mul3A_194 : vector<16xf32>
      %max3A_198 = arith.constant 0.000000e+00 : f32
      %max3A_199 = vector.broadcast %max3A_198 : f32 to vector<16xf32>
      %max3A_200 = arith.maximumf %gather3A_167, %max3A_199 : vector<16xf32>
      %mul3A_201 = arith.constant 2.000000e+00 : f32
      %mul3A_202 = vector.broadcast %mul3A_201 : f32 to vector<16xf32>
      %mul3A_203 = arith.mulf %mul3A_202, %div3A_178 : vector<16xf32>
      %mul3A_204 = arith.mulf %mul3A_203, %add3A_197 : vector<16xf32>
      %add3A_205 = arith.addf %max3A_200, %mul3A_204 : vector<16xf32>
      %mul3A_206 = arith.mulf %add3A_205, %get3A_169 : vector<16xf32>
      %add3A_207 = arith.constant 128 : i32
      %add3A_208 = arith.addi %add3A_207, %mul3A_110 : i32
      %add3A_209 = arith.constant 2 : i32
      %add3A_210 = arith.addi %add3A_208, %add3A_209 : i32
      %mul3A_211 = arith.constant 16 : i32
      %mul3A_212 = arith.muli %add3A_210, %mul3A_211 : i32
      %multiple_of3A_213 = tpu.assume_multiple %mul3A_212, 16 : i32
      %get3A_214 = arith.index_cast %multiple_of3A_213 : i32 to index
      %get3A_215 = tpu.vector_load %arg8[%get3A_214] {strides = array<i32>} : memref<8192xi32, #tpu.memory_space<vmem>>, vector<16xi32>,
      %add3A_216 = arith.constant 2 : i32
      %add3A_217 = arith.addi %mul3A_110, %add3A_216 : i32
      %broadcast_in_dim3A_218 = vector.broadcast %add3A_217 : i32 to vector<16xi32>
      %gather3A_219 = tpu.vector_load_idx %arg11[%broadcast_in_dim3A_218, %get3A_215] : memref<128x128xf32, #tpu.memory_space<vmem>>[vector<16xi32>, vector<16xi32>], vector<16xf32>,
      %get3A_220 = arith.index_cast %multiple_of3A_213 : i32 to index
      %get3A_221 = tpu.vector_load %arg9[%get3A_220] {strides = array<i32>} : memref<8192xf32, #tpu.memory_space<vmem>>, vector<16xf32>,
      %abs3A_222 = math.absf %gather3A_219 : vector<16xf32>
      %neg3A_223 = arith.constant 0.000000e+00 : f32
      %neg3A_224 = vector.broadcast %neg3A_223 : f32 to vector<16xf32>
      %neg3A_225 = arith.subf %neg3A_224, %abs3A_222 : vector<16xf32>
      %exp3A_226 = math.exp %neg3A_225 : vector<16xf32>
      %add3A_227 = arith.constant 2.000000e+00 : f32
      %add3A_228 = vector.broadcast %add3A_227 : f32 to vector<16xf32>
      %add3A_229 = arith.addf %exp3A_226, %add3A_228 : vector<16xf32>
      %div3A_230 = arith.divf %exp3A_226, %add3A_229 : vector<16xf32>
      %mul3A_231 = arith.mulf %div3A_230, %div3A_230 : vector<16xf32>
      %mul3A_232 = arith.constant 0.111111112 : f32
      %mul3A_233 = vector.broadcast %mul3A_232 : f32 to vector<16xf32>
      %mul3A_234 = arith.mulf %mul3A_231, %mul3A_233 : vector<16xf32>
      %add3A_235 = arith.constant 0.142857149 : f32
      %add3A_236 = vector.broadcast %add3A_235 : f32 to vector<16xf32>
      %add3A_237 = arith.addf %add3A_236, %mul3A_234 : vector<16xf32>
      %mul3A_238 = arith.mulf %mul3A_231, %add3A_237 : vector<16xf32>
      %add3A_239 = arith.constant 2.000000e-01 : f32
      %add3A_240 = vector.broadcast %add3A_239 : f32 to vector<16xf32>
      %add3A_241 = arith.addf %add3A_240, %mul3A_238 : vector<16xf32>
      %mul3A_242 = arith.mulf %mul3A_231, %add3A_241 : vector<16xf32>
      %add3A_243 = arith.constant 0.333333343 : f32
      %add3A_244 = vector.broadcast %add3A_243 : f32 to vector<16xf32>
      %add3A_245 = arith.addf %add3A_244, %mul3A_242 : vector<16xf32>
      %mul3A_246 = arith.mulf %mul3A_231, %add3A_245 : vector<16xf32>
      %add3A_247 = arith.constant 1.000000e+00 : f32
      %add3A_248 = vector.broadcast %add3A_247 : f32 to vector<16xf32>
      %add3A_249 = arith.addf %add3A_248, %mul3A_246 : vector<16xf32>
      %max3A_250 = arith.constant 0.000000e+00 : f32
      %max3A_251 = vector.broadcast %max3A_250 : f32 to vector<16xf32>
      %max3A_252 = arith.maximumf %gather3A_219, %max3A_251 : vector<16xf32>
      %mul3A_253 = arith.constant 2.000000e+00 : f32
      %mul3A_254 = vector.broadcast %mul3A_253 : f32 to vector<16xf32>
      %mul3A_255 = arith.mulf %mul3A_254, %div3A_230 : vector<16xf32>
      %mul3A_256 = arith.mulf %mul3A_255, %add3A_249 : vector<16xf32>
      %add3A_257 = arith.addf %max3A_252, %mul3A_256 : vector<16xf32>
      %mul3A_258 = arith.mulf %add3A_257, %get3A_221 : vector<16xf32>
      %add3A_259 = arith.constant 128 : i32
      %add3A_260 = arith.addi %add3A_259, %mul3A_110 : i32
      %add3A_261 = arith.constant 3 : i32
      %add3A_262 = arith.addi %add3A_260, %add3A_261 : i32
      %mul3A_263 = arith.constant 16 : i32
      %mul3A_264 = arith.muli %add3A_262, %mul3A_263 : i32
      %multiple_of3A_265 = tpu.assume_multiple %mul3A_264, 16 : i32
      %get3A_266 = arith.index_cast %multiple_of3A_265 : i32 to index
      %get3A_267 = tpu.vector_load %arg8[%get3A_266] {strides = array<i32>} : memref<8192xi32, #tpu.memory_space<vmem>>, vector<16xi32>,
      %add3A_268 = arith.constant 3 : i32
      %add3A_269 = arith.addi %mul3A_110, %add3A_268 : i32
      %broadcast_in_dim3A_270 = vector.broadcast %add3A_269 : i32 to vector<16xi32>
      %gather3A_271 = tpu.vector_load_idx %arg11[%broadcast_in_dim3A_270, %get3A_267] : memref<128x128xf32, #tpu.memory_space<vmem>>[vector<16xi32>, vector<16xi32>], vector<16xf32>,
      %get3A_272 = arith.index_cast %multiple_of3A_265 : i32 to index
      %get3A_273 = tpu.vector_load %arg9[%get3A_272] {strides = array<i32>} : memref<8192xf32, #tpu.memory_space<vmem>>, vector<16xf32>,
      %abs3A_274 = math.absf %gather3A_271 : vector<16xf32>
      %neg3A_275 = arith.constant 0.000000e+00 : f32
      %neg3A_276 = vector.broadcast %neg3A_275 : f32 to vector<16xf32>
      %neg3A_277 = arith.subf %neg3A_276, %abs3A_274 : vector<16xf32>
      %exp3A_278 = math.exp %neg3A_277 : vector<16xf32>
      %add3A_279 = arith.constant 2.000000e+00 : f32
      %add3A_280 = vector.broadcast %add3A_279 : f32 to vector<16xf32>
      %add3A_281 = arith.addf %exp3A_278, %add3A_280 : vector<16xf32>
      %div3A_282 = arith.divf %exp3A_278, %add3A_281 : vector<16xf32>
      %mul3A_283 = arith.mulf %div3A_282, %div3A_282 : vector<16xf32>
      %mul3A_284 = arith.constant 0.111111112 : f32
      %mul3A_285 = vector.broadcast %mul3A_284 : f32 to vector<16xf32>
      %mul3A_286 = arith.mulf %mul3A_283, %mul3A_285 : vector<16xf32>
      %add3A_287 = arith.constant 0.142857149 : f32
      %add3A_288 = vector.broadcast %add3A_287 : f32 to vector<16xf32>
      %add3A_289 = arith.addf %add3A_288, %mul3A_286 : vector<16xf32>
      %mul3A_290 = arith.mulf %mul3A_283, %add3A_289 : vector<16xf32>
      %add3A_291 = arith.constant 2.000000e-01 : f32
      %add3A_292 = vector.broadcast %add3A_291 : f32 to vector<16xf32>
      %add3A_293 = arith.addf %add3A_292, %mul3A_290 : vector<16xf32>
      %mul3A_294 = arith.mulf %mul3A_283, %add3A_293 : vector<16xf32>
      %add3A_295 = arith.constant 0.333333343 : f32
      %add3A_296 = vector.broadcast %add3A_295 : f32 to vector<16xf32>
      %add3A_297 = arith.addf %add3A_296, %mul3A_294 : vector<16xf32>
      %mul3A_298 = arith.mulf %mul3A_283, %add3A_297 : vector<16xf32>
      %add3A_299 = arith.constant 1.000000e+00 : f32
      %add3A_300 = vector.broadcast %add3A_299 : f32 to vector<16xf32>
      %add3A_301 = arith.addf %add3A_300, %mul3A_298 : vector<16xf32>
      %max3A_302 = arith.constant 0.000000e+00 : f32
      %max3A_303 = vector.broadcast %max3A_302 : f32 to vector<16xf32>
      %max3A_304 = arith.maximumf %gather3A_271, %max3A_303 : vector<16xf32>
      %mul3A_305 = arith.constant 2.000000e+00 : f32
      %mul3A_306 = vector.broadcast %mul3A_305 : f32 to vector<16xf32>
      %mul3A_307 = arith.mulf %mul3A_306, %div3A_282 : vector<16xf32>
      %mul3A_308 = arith.mulf %mul3A_307, %add3A_301 : vector<16xf32>
      %add3A_309 = arith.addf %max3A_304, %mul3A_308 : vector<16xf32>
      %mul3A_310 = arith.mulf %add3A_309, %get3A_273 : vector<16xf32>
      %add3A_311 = arith.addf %mul3A_154, %mul3A_206 : vector<16xf32>
      %add3A_312 = arith.addf %mul3A_258, %mul3A_310 : vector<16xf32>
      %add3A_313 = arith.addf %add3A_311, %add3A_312 : vector<16xf32>
      %add3A_314 = arith.addf %scan3A_108, %add3A_313 : vector<16xf32>
      scf.yield %add3A_314 : vector<16xf32>
    }
    %scan3A_69 = arith.constant 32 : i32
    %dma_start3A_70 = arith.constant 3 : i32
    %dma_start3A_71 = arith.constant 0 : i32
    %dma_start3A_72 = tpu.memref_slice %arg7[%dma_start3A_70, %dma_start3A_71] : memref<4x128xi32, #tpu.memory_space<vmem>> -> memref<1x128xi32, #tpu.memory_space<vmem>>
    %dma_start3A_73 = tpu.memref_squeeze %dma_start3A_72 : memref<1x128xi32, #tpu.memory_space<vmem>> -> memref<128xi32, #tpu.memory_space<vmem>>
    %dma_start3A_74 = arith.constant 0 : i32
    %dma_start3A_75 = arith.constant 0 : i32
    %dma_start3A_76 = tpu.memref_slice %arg5[%dma_start3A_74, %dma_start3A_75] : memref<125000x128xf32, #tpu.memory_space<hbm>> -> memref<125000x128xf32, #tpu.memory_space<hbm>>
    tpu.enqueue_indirect_dma source(%dma_start3A_76 : memref<125000x128xf32, #tpu.memory_space<hbm>>) target(%arg11 : memref<128x128xf32, #tpu.memory_space<vmem>>) offsets(%dma_start3A_73 : memref<128xi32, #tpu.memory_space<vmem>>) semaphore(%arg14 : memref<!tpu.dma_semaphore, #tpu.memory_space<semaphore_mem>>)
    %dma_wait3A_77 = arith.constant 2 : i32
    %dma_wait3A_78 = arith.constant 0 : i32
    %dma_wait3A_79 = tpu.memref_slice %arg7[%dma_wait3A_77, %dma_wait3A_78] : memref<4x128xi32, #tpu.memory_space<vmem>> -> memref<1x128xi32, #tpu.memory_space<vmem>>
    %dma_wait3A_80 = tpu.memref_squeeze %dma_wait3A_79 : memref<1x128xi32, #tpu.memory_space<vmem>> -> memref<128xi32, #tpu.memory_space<vmem>>
    %dma_wait3A_81 = arith.constant 0 : i32
    %dma_wait3A_82 = arith.constant 0 : i32
    %dma_wait3A_83 = tpu.memref_slice %arg5[%dma_wait3A_81, %dma_wait3A_82] : memref<125000x128xf32, #tpu.memory_space<hbm>> -> memref<125000x128xf32, #tpu.memory_space<hbm>>
    tpu.wait_indirect_dma semaphore(%arg13 : memref<!tpu.dma_semaphore, #tpu.memory_space<semaphore_mem>>) src(%dma_wait3A_83 : memref<125000x128xf32, #tpu.memory_space<hbm>>) dst(%arg10 : memref<128x128xf32, #tpu.memory_space<vmem>>)
    %scan3A_84 = arith.constant 0 : i32
    %scan3A_85 = arith.constant 32 : i32
    %scan3A_86 = arith.addi %scan3A_84, %scan3A_85 : i32
    %scan3A_87 = arith.constant 1 : i32
    %scan3A_88 = scf.for %scan3A_107 = %scan3A_84 to %scan3A_86 step %scan3A_87 iter_args(%scan3A_108 = %scan3A_68) -> (vector<16xf32>)  : i32 {
      %mul3A_109 = arith.constant 4 : i32
      %mul3A_110 = arith.muli %scan3A_107, %mul3A_109 : i32
      %add3A_111 = arith.constant 256 : i32
      %add3A_112 = arith.addi %add3A_111, %mul3A_110 : i32
      %add3A_113 = arith.constant 0 : i32
      %add3A_114 = arith.addi %add3A_112, %add3A_113 : i32
      %mul3A_115 = arith.constant 16 : i32
      %mul3A_116 = arith.muli %add3A_114, %mul3A_115 : i32
      %multiple_of3A = tpu.assume_multiple %mul3A_116, 16 : i32
      %get3A = arith.index_cast %multiple_of3A : i32 to index
      %get3A_117 = tpu.vector_load %arg8[%get3A] {strides = array<i32>} : memref<8192xi32, #tpu.memory_space<vmem>>, vector<16xi32>,
      %add3A_118 = arith.constant 0 : i32
      %add3A_119 = arith.addi %mul3A_110, %add3A_118 : i32
      %broadcast_in_dim3A_120 = vector.broadcast %add3A_119 : i32 to vector<16xi32>
      %gather3A = tpu.vector_load_idx %arg10[%broadcast_in_dim3A_120, %get3A_117] : memref<128x128xf32, #tpu.memory_space<vmem>>[vector<16xi32>, vector<16xi32>], vector<16xf32>,
      %get3A_121 = arith.index_cast %multiple_of3A : i32 to index
      %get3A_122 = tpu.vector_load %arg9[%get3A_121] {strides = array<i32>} : memref<8192xf32, #tpu.memory_space<vmem>>, vector<16xf32>,
      %abs3A = math.absf %gather3A : vector<16xf32>
      %neg3A = arith.constant 0.000000e+00 : f32
      %neg3A_123 = vector.broadcast %neg3A : f32 to vector<16xf32>
      %neg3A_124 = arith.subf %neg3A_123, %abs3A : vector<16xf32>
      %exp3A = math.exp %neg3A_124 : vector<16xf32>
      %add3A_125 = arith.constant 2.000000e+00 : f32
      %add3A_126 = vector.broadcast %add3A_125 : f32 to vector<16xf32>
      %add3A_127 = arith.addf %exp3A, %add3A_126 : vector<16xf32>
      %div3A = arith.divf %exp3A, %add3A_127 : vector<16xf32>
      %mul3A_128 = arith.mulf %div3A, %div3A : vector<16xf32>
      %mul3A_129 = arith.constant 0.111111112 : f32
      %mul3A_130 = vector.broadcast %mul3A_129 : f32 to vector<16xf32>
      %mul3A_131 = arith.mulf %mul3A_128, %mul3A_130 : vector<16xf32>
      %add3A_132 = arith.constant 0.142857149 : f32
      %add3A_133 = vector.broadcast %add3A_132 : f32 to vector<16xf32>
      %add3A_134 = arith.addf %add3A_133, %mul3A_131 : vector<16xf32>
      %mul3A_135 = arith.mulf %mul3A_128, %add3A_134 : vector<16xf32>
      %add3A_136 = arith.constant 2.000000e-01 : f32
      %add3A_137 = vector.broadcast %add3A_136 : f32 to vector<16xf32>
      %add3A_138 = arith.addf %add3A_137, %mul3A_135 : vector<16xf32>
      %mul3A_139 = arith.mulf %mul3A_128, %add3A_138 : vector<16xf32>
      %add3A_140 = arith.constant 0.333333343 : f32
      %add3A_141 = vector.broadcast %add3A_140 : f32 to vector<16xf32>
      %add3A_142 = arith.addf %add3A_141, %mul3A_139 : vector<16xf32>
      %mul3A_143 = arith.mulf %mul3A_128, %add3A_142 : vector<16xf32>
      %add3A_144 = arith.constant 1.000000e+00 : f32
      %add3A_145 = vector.broadcast %add3A_144 : f32 to vector<16xf32>
      %add3A_146 = arith.addf %add3A_145, %mul3A_143 : vector<16xf32>
      %max3A = arith.constant 0.000000e+00 : f32
      %max3A_147 = vector.broadcast %max3A : f32 to vector<16xf32>
      %max3A_148 = arith.maximumf %gather3A, %max3A_147 : vector<16xf32>
      %mul3A_149 = arith.constant 2.000000e+00 : f32
      %mul3A_150 = vector.broadcast %mul3A_149 : f32 to vector<16xf32>
      %mul3A_151 = arith.mulf %mul3A_150, %div3A : vector<16xf32>
      %mul3A_152 = arith.mulf %mul3A_151, %add3A_146 : vector<16xf32>
      %add3A_153 = arith.addf %max3A_148, %mul3A_152 : vector<16xf32>
      %mul3A_154 = arith.mulf %add3A_153, %get3A_122 : vector<16xf32>
      %add3A_155 = arith.constant 256 : i32
      %add3A_156 = arith.addi %add3A_155, %mul3A_110 : i32
      %add3A_157 = arith.constant 1 : i32
      %add3A_158 = arith.addi %add3A_156, %add3A_157 : i32
      %mul3A_159 = arith.constant 16 : i32
      %mul3A_160 = arith.muli %add3A_158, %mul3A_159 : i32
      %multiple_of3A_161 = tpu.assume_multiple %mul3A_160, 16 : i32
      %get3A_162 = arith.index_cast %multiple_of3A_161 : i32 to index
      %get3A_163 = tpu.vector_load %arg8[%get3A_162] {strides = array<i32>} : memref<8192xi32, #tpu.memory_space<vmem>>, vector<16xi32>,
      %add3A_164 = arith.constant 1 : i32
      %add3A_165 = arith.addi %mul3A_110, %add3A_164 : i32
      %broadcast_in_dim3A_166 = vector.broadcast %add3A_165 : i32 to vector<16xi32>
      %gather3A_167 = tpu.vector_load_idx %arg10[%broadcast_in_dim3A_166, %get3A_163] : memref<128x128xf32, #tpu.memory_space<vmem>>[vector<16xi32>, vector<16xi32>], vector<16xf32>,
      %get3A_168 = arith.index_cast %multiple_of3A_161 : i32 to index
      %get3A_169 = tpu.vector_load %arg9[%get3A_168] {strides = array<i32>} : memref<8192xf32, #tpu.memory_space<vmem>>, vector<16xf32>,
      %abs3A_170 = math.absf %gather3A_167 : vector<16xf32>
      %neg3A_171 = arith.constant 0.000000e+00 : f32
      %neg3A_172 = vector.broadcast %neg3A_171 : f32 to vector<16xf32>
      %neg3A_173 = arith.subf %neg3A_172, %abs3A_170 : vector<16xf32>
      %exp3A_174 = math.exp %neg3A_173 : vector<16xf32>
      %add3A_175 = arith.constant 2.000000e+00 : f32
      %add3A_176 = vector.broadcast %add3A_175 : f32 to vector<16xf32>
      %add3A_177 = arith.addf %exp3A_174, %add3A_176 : vector<16xf32>
      %div3A_178 = arith.divf %exp3A_174, %add3A_177 : vector<16xf32>
      %mul3A_179 = arith.mulf %div3A_178, %div3A_178 : vector<16xf32>
      %mul3A_180 = arith.constant 0.111111112 : f32
      %mul3A_181 = vector.broadcast %mul3A_180 : f32 to vector<16xf32>
      %mul3A_182 = arith.mulf %mul3A_179, %mul3A_181 : vector<16xf32>
      %add3A_183 = arith.constant 0.142857149 : f32
      %add3A_184 = vector.broadcast %add3A_183 : f32 to vector<16xf32>
      %add3A_185 = arith.addf %add3A_184, %mul3A_182 : vector<16xf32>
      %mul3A_186 = arith.mulf %mul3A_179, %add3A_185 : vector<16xf32>
      %add3A_187 = arith.constant 2.000000e-01 : f32
      %add3A_188 = vector.broadcast %add3A_187 : f32 to vector<16xf32>
      %add3A_189 = arith.addf %add3A_188, %mul3A_186 : vector<16xf32>
      %mul3A_190 = arith.mulf %mul3A_179, %add3A_189 : vector<16xf32>
      %add3A_191 = arith.constant 0.333333343 : f32
      %add3A_192 = vector.broadcast %add3A_191 : f32 to vector<16xf32>
      %add3A_193 = arith.addf %add3A_192, %mul3A_190 : vector<16xf32>
      %mul3A_194 = arith.mulf %mul3A_179, %add3A_193 : vector<16xf32>
      %add3A_195 = arith.constant 1.000000e+00 : f32
      %add3A_196 = vector.broadcast %add3A_195 : f32 to vector<16xf32>
      %add3A_197 = arith.addf %add3A_196, %mul3A_194 : vector<16xf32>
      %max3A_198 = arith.constant 0.000000e+00 : f32
      %max3A_199 = vector.broadcast %max3A_198 : f32 to vector<16xf32>
      %max3A_200 = arith.maximumf %gather3A_167, %max3A_199 : vector<16xf32>
      %mul3A_201 = arith.constant 2.000000e+00 : f32
      %mul3A_202 = vector.broadcast %mul3A_201 : f32 to vector<16xf32>
      %mul3A_203 = arith.mulf %mul3A_202, %div3A_178 : vector<16xf32>
      %mul3A_204 = arith.mulf %mul3A_203, %add3A_197 : vector<16xf32>
      %add3A_205 = arith.addf %max3A_200, %mul3A_204 : vector<16xf32>
      %mul3A_206 = arith.mulf %add3A_205, %get3A_169 : vector<16xf32>
      %add3A_207 = arith.constant 256 : i32
      %add3A_208 = arith.addi %add3A_207, %mul3A_110 : i32
      %add3A_209 = arith.constant 2 : i32
      %add3A_210 = arith.addi %add3A_208, %add3A_209 : i32
      %mul3A_211 = arith.constant 16 : i32
      %mul3A_212 = arith.muli %add3A_210, %mul3A_211 : i32
      %multiple_of3A_213 = tpu.assume_multiple %mul3A_212, 16 : i32
      %get3A_214 = arith.index_cast %multiple_of3A_213 : i32 to index
      %get3A_215 = tpu.vector_load %arg8[%get3A_214] {strides = array<i32>} : memref<8192xi32, #tpu.memory_space<vmem>>, vector<16xi32>,
      %add3A_216 = arith.constant 2 : i32
      %add3A_217 = arith.addi %mul3A_110, %add3A_216 : i32
      %broadcast_in_dim3A_218 = vector.broadcast %add3A_217 : i32 to vector<16xi32>
      %gather3A_219 = tpu.vector_load_idx %arg10[%broadcast_in_dim3A_218, %get3A_215] : memref<128x128xf32, #tpu.memory_space<vmem>>[vector<16xi32>, vector<16xi32>], vector<16xf32>,
      %get3A_220 = arith.index_cast %multiple_of3A_213 : i32 to index
      %get3A_221 = tpu.vector_load %arg9[%get3A_220] {strides = array<i32>} : memref<8192xf32, #tpu.memory_space<vmem>>, vector<16xf32>,
      %abs3A_222 = math.absf %gather3A_219 : vector<16xf32>
      %neg3A_223 = arith.constant 0.000000e+00 : f32
      %neg3A_224 = vector.broadcast %neg3A_223 : f32 to vector<16xf32>
      %neg3A_225 = arith.subf %neg3A_224, %abs3A_222 : vector<16xf32>
      %exp3A_226 = math.exp %neg3A_225 : vector<16xf32>
      %add3A_227 = arith.constant 2.000000e+00 : f32
      %add3A_228 = vector.broadcast %add3A_227 : f32 to vector<16xf32>
      %add3A_229 = arith.addf %exp3A_226, %add3A_228 : vector<16xf32>
      %div3A_230 = arith.divf %exp3A_226, %add3A_229 : vector<16xf32>
      %mul3A_231 = arith.mulf %div3A_230, %div3A_230 : vector<16xf32>
      %mul3A_232 = arith.constant 0.111111112 : f32
      %mul3A_233 = vector.broadcast %mul3A_232 : f32 to vector<16xf32>
      %mul3A_234 = arith.mulf %mul3A_231, %mul3A_233 : vector<16xf32>
      %add3A_235 = arith.constant 0.142857149 : f32
      %add3A_236 = vector.broadcast %add3A_235 : f32 to vector<16xf32>
      %add3A_237 = arith.addf %add3A_236, %mul3A_234 : vector<16xf32>
      %mul3A_238 = arith.mulf %mul3A_231, %add3A_237 : vector<16xf32>
      %add3A_239 = arith.constant 2.000000e-01 : f32
      %add3A_240 = vector.broadcast %add3A_239 : f32 to vector<16xf32>
      %add3A_241 = arith.addf %add3A_240, %mul3A_238 : vector<16xf32>
      %mul3A_242 = arith.mulf %mul3A_231, %add3A_241 : vector<16xf32>
      %add3A_243 = arith.constant 0.333333343 : f32
      %add3A_244 = vector.broadcast %add3A_243 : f32 to vector<16xf32>
      %add3A_245 = arith.addf %add3A_244, %mul3A_242 : vector<16xf32>
      %mul3A_246 = arith.mulf %mul3A_231, %add3A_245 : vector<16xf32>
      %add3A_247 = arith.constant 1.000000e+00 : f32
      %add3A_248 = vector.broadcast %add3A_247 : f32 to vector<16xf32>
      %add3A_249 = arith.addf %add3A_248, %mul3A_246 : vector<16xf32>
      %max3A_250 = arith.constant 0.000000e+00 : f32
      %max3A_251 = vector.broadcast %max3A_250 : f32 to vector<16xf32>
      %max3A_252 = arith.maximumf %gather3A_219, %max3A_251 : vector<16xf32>
      %mul3A_253 = arith.constant 2.000000e+00 : f32
      %mul3A_254 = vector.broadcast %mul3A_253 : f32 to vector<16xf32>
      %mul3A_255 = arith.mulf %mul3A_254, %div3A_230 : vector<16xf32>
      %mul3A_256 = arith.mulf %mul3A_255, %add3A_249 : vector<16xf32>
      %add3A_257 = arith.addf %max3A_252, %mul3A_256 : vector<16xf32>
      %mul3A_258 = arith.mulf %add3A_257, %get3A_221 : vector<16xf32>
      %add3A_259 = arith.constant 256 : i32
      %add3A_260 = arith.addi %add3A_259, %mul3A_110 : i32
      %add3A_261 = arith.constant 3 : i32
      %add3A_262 = arith.addi %add3A_260, %add3A_261 : i32
      %mul3A_263 = arith.constant 16 : i32
      %mul3A_264 = arith.muli %add3A_262, %mul3A_263 : i32
      %multiple_of3A_265 = tpu.assume_multiple %mul3A_264, 16 : i32
      %get3A_266 = arith.index_cast %multiple_of3A_265 : i32 to index
      %get3A_267 = tpu.vector_load %arg8[%get3A_266] {strides = array<i32>} : memref<8192xi32, #tpu.memory_space<vmem>>, vector<16xi32>,
      %add3A_268 = arith.constant 3 : i32
      %add3A_269 = arith.addi %mul3A_110, %add3A_268 : i32
      %broadcast_in_dim3A_270 = vector.broadcast %add3A_269 : i32 to vector<16xi32>
      %gather3A_271 = tpu.vector_load_idx %arg10[%broadcast_in_dim3A_270, %get3A_267] : memref<128x128xf32, #tpu.memory_space<vmem>>[vector<16xi32>, vector<16xi32>], vector<16xf32>,
      %get3A_272 = arith.index_cast %multiple_of3A_265 : i32 to index
      %get3A_273 = tpu.vector_load %arg9[%get3A_272] {strides = array<i32>} : memref<8192xf32, #tpu.memory_space<vmem>>, vector<16xf32>,
      %abs3A_274 = math.absf %gather3A_271 : vector<16xf32>
      %neg3A_275 = arith.constant 0.000000e+00 : f32
      %neg3A_276 = vector.broadcast %neg3A_275 : f32 to vector<16xf32>
      %neg3A_277 = arith.subf %neg3A_276, %abs3A_274 : vector<16xf32>
      %exp3A_278 = math.exp %neg3A_277 : vector<16xf32>
      %add3A_279 = arith.constant 2.000000e+00 : f32
      %add3A_280 = vector.broadcast %add3A_279 : f32 to vector<16xf32>
      %add3A_281 = arith.addf %exp3A_278, %add3A_280 : vector<16xf32>
      %div3A_282 = arith.divf %exp3A_278, %add3A_281 : vector<16xf32>
      %mul3A_283 = arith.mulf %div3A_282, %div3A_282 : vector<16xf32>
      %mul3A_284 = arith.constant 0.111111112 : f32
      %mul3A_285 = vector.broadcast %mul3A_284 : f32 to vector<16xf32>
      %mul3A_286 = arith.mulf %mul3A_283, %mul3A_285 : vector<16xf32>
      %add3A_287 = arith.constant 0.142857149 : f32
      %add3A_288 = vector.broadcast %add3A_287 : f32 to vector<16xf32>
      %add3A_289 = arith.addf %add3A_288, %mul3A_286 : vector<16xf32>
      %mul3A_290 = arith.mulf %mul3A_283, %add3A_289 : vector<16xf32>
      %add3A_291 = arith.constant 2.000000e-01 : f32
      %add3A_292 = vector.broadcast %add3A_291 : f32 to vector<16xf32>
      %add3A_293 = arith.addf %add3A_292, %mul3A_290 : vector<16xf32>
      %mul3A_294 = arith.mulf %mul3A_283, %add3A_293 : vector<16xf32>
      %add3A_295 = arith.constant 0.333333343 : f32
      %add3A_296 = vector.broadcast %add3A_295 : f32 to vector<16xf32>
      %add3A_297 = arith.addf %add3A_296, %mul3A_294 : vector<16xf32>
      %mul3A_298 = arith.mulf %mul3A_283, %add3A_297 : vector<16xf32>
      %add3A_299 = arith.constant 1.000000e+00 : f32
      %add3A_300 = vector.broadcast %add3A_299 : f32 to vector<16xf32>
      %add3A_301 = arith.addf %add3A_300, %mul3A_298 : vector<16xf32>
      %max3A_302 = arith.constant 0.000000e+00 : f32
      %max3A_303 = vector.broadcast %max3A_302 : f32 to vector<16xf32>
      %max3A_304 = arith.maximumf %gather3A_271, %max3A_303 : vector<16xf32>
      %mul3A_305 = arith.constant 2.000000e+00 : f32
      %mul3A_306 = vector.broadcast %mul3A_305 : f32 to vector<16xf32>
      %mul3A_307 = arith.mulf %mul3A_306, %div3A_282 : vector<16xf32>
      %mul3A_308 = arith.mulf %mul3A_307, %add3A_301 : vector<16xf32>
      %add3A_309 = arith.addf %max3A_304, %mul3A_308 : vector<16xf32>
      %mul3A_310 = arith.mulf %add3A_309, %get3A_273 : vector<16xf32>
      %add3A_311 = arith.addf %mul3A_154, %mul3A_206 : vector<16xf32>
      %add3A_312 = arith.addf %mul3A_258, %mul3A_310 : vector<16xf32>
      %add3A_313 = arith.addf %add3A_311, %add3A_312 : vector<16xf32>
      %add3A_314 = arith.addf %scan3A_108, %add3A_313 : vector<16xf32>
      scf.yield %add3A_314 : vector<16xf32>
    }
    %scan3A_89 = arith.constant 32 : i32
    %dma_wait3A_90 = arith.constant 3 : i32
    %dma_wait3A_91 = arith.constant 0 : i32
    %dma_wait3A_92 = tpu.memref_slice %arg7[%dma_wait3A_90, %dma_wait3A_91] : memref<4x128xi32, #tpu.memory_space<vmem>> -> memref<1x128xi32, #tpu.memory_space<vmem>>
    %dma_wait3A_93 = tpu.memref_squeeze %dma_wait3A_92 : memref<1x128xi32, #tpu.memory_space<vmem>> -> memref<128xi32, #tpu.memory_space<vmem>>
    %dma_wait3A_94 = arith.constant 0 : i32
    %dma_wait3A_95 = arith.constant 0 : i32
    %dma_wait3A_96 = tpu.memref_slice %arg5[%dma_wait3A_94, %dma_wait3A_95] : memref<125000x128xf32, #tpu.memory_space<hbm>> -> memref<125000x128xf32, #tpu.memory_space<hbm>>
    tpu.wait_indirect_dma semaphore(%arg14 : memref<!tpu.dma_semaphore, #tpu.memory_space<semaphore_mem>>) src(%dma_wait3A_96 : memref<125000x128xf32, #tpu.memory_space<hbm>>) dst(%arg11 : memref<128x128xf32, #tpu.memory_space<vmem>>)
    %scan3A_97 = arith.constant 0 : i32
    %scan3A_98 = arith.constant 32 : i32
    %scan3A_99 = arith.addi %scan3A_97, %scan3A_98 : i32
    %scan3A_100 = arith.constant 1 : i32
    %scan3A_101 = scf.for %scan3A_107 = %scan3A_97 to %scan3A_99 step %scan3A_100 iter_args(%scan3A_108 = %scan3A_88) -> (vector<16xf32>)  : i32 {
      %mul3A_109 = arith.constant 4 : i32
      %mul3A_110 = arith.muli %scan3A_107, %mul3A_109 : i32
      %add3A_111 = arith.constant 384 : i32
      %add3A_112 = arith.addi %add3A_111, %mul3A_110 : i32
      %add3A_113 = arith.constant 0 : i32
      %add3A_114 = arith.addi %add3A_112, %add3A_113 : i32
      %mul3A_115 = arith.constant 16 : i32
      %mul3A_116 = arith.muli %add3A_114, %mul3A_115 : i32
      %multiple_of3A = tpu.assume_multiple %mul3A_116, 16 : i32
      %get3A = arith.index_cast %multiple_of3A : i32 to index
      %get3A_117 = tpu.vector_load %arg8[%get3A] {strides = array<i32>} : memref<8192xi32, #tpu.memory_space<vmem>>, vector<16xi32>,
      %add3A_118 = arith.constant 0 : i32
      %add3A_119 = arith.addi %mul3A_110, %add3A_118 : i32
      %broadcast_in_dim3A_120 = vector.broadcast %add3A_119 : i32 to vector<16xi32>
      %gather3A = tpu.vector_load_idx %arg11[%broadcast_in_dim3A_120, %get3A_117] : memref<128x128xf32, #tpu.memory_space<vmem>>[vector<16xi32>, vector<16xi32>], vector<16xf32>,
      %get3A_121 = arith.index_cast %multiple_of3A : i32 to index
      %get3A_122 = tpu.vector_load %arg9[%get3A_121] {strides = array<i32>} : memref<8192xf32, #tpu.memory_space<vmem>>, vector<16xf32>,
      %abs3A = math.absf %gather3A : vector<16xf32>
      %neg3A = arith.constant 0.000000e+00 : f32
      %neg3A_123 = vector.broadcast %neg3A : f32 to vector<16xf32>
      %neg3A_124 = arith.subf %neg3A_123, %abs3A : vector<16xf32>
      %exp3A = math.exp %neg3A_124 : vector<16xf32>
      %add3A_125 = arith.constant 2.000000e+00 : f32
      %add3A_126 = vector.broadcast %add3A_125 : f32 to vector<16xf32>
      %add3A_127 = arith.addf %exp3A, %add3A_126 : vector<16xf32>
      %div3A = arith.divf %exp3A, %add3A_127 : vector<16xf32>
      %mul3A_128 = arith.mulf %div3A, %div3A : vector<16xf32>
      %mul3A_129 = arith.constant 0.111111112 : f32
      %mul3A_130 = vector.broadcast %mul3A_129 : f32 to vector<16xf32>
      %mul3A_131 = arith.mulf %mul3A_128, %mul3A_130 : vector<16xf32>
      %add3A_132 = arith.constant 0.142857149 : f32
      %add3A_133 = vector.broadcast %add3A_132 : f32 to vector<16xf32>
      %add3A_134 = arith.addf %add3A_133, %mul3A_131 : vector<16xf32>
      %mul3A_135 = arith.mulf %mul3A_128, %add3A_134 : vector<16xf32>
      %add3A_136 = arith.constant 2.000000e-01 : f32
      %add3A_137 = vector.broadcast %add3A_136 : f32 to vector<16xf32>
      %add3A_138 = arith.addf %add3A_137, %mul3A_135 : vector<16xf32>
      %mul3A_139 = arith.mulf %mul3A_128, %add3A_138 : vector<16xf32>
      %add3A_140 = arith.constant 0.333333343 : f32
      %add3A_141 = vector.broadcast %add3A_140 : f32 to vector<16xf32>
      %add3A_142 = arith.addf %add3A_141, %mul3A_139 : vector<16xf32>
      %mul3A_143 = arith.mulf %mul3A_128, %add3A_142 : vector<16xf32>
      %add3A_144 = arith.constant 1.000000e+00 : f32
      %add3A_145 = vector.broadcast %add3A_144 : f32 to vector<16xf32>
      %add3A_146 = arith.addf %add3A_145, %mul3A_143 : vector<16xf32>
      %max3A = arith.constant 0.000000e+00 : f32
      %max3A_147 = vector.broadcast %max3A : f32 to vector<16xf32>
      %max3A_148 = arith.maximumf %gather3A, %max3A_147 : vector<16xf32>
      %mul3A_149 = arith.constant 2.000000e+00 : f32
      %mul3A_150 = vector.broadcast %mul3A_149 : f32 to vector<16xf32>
      %mul3A_151 = arith.mulf %mul3A_150, %div3A : vector<16xf32>
      %mul3A_152 = arith.mulf %mul3A_151, %add3A_146 : vector<16xf32>
      %add3A_153 = arith.addf %max3A_148, %mul3A_152 : vector<16xf32>
      %mul3A_154 = arith.mulf %add3A_153, %get3A_122 : vector<16xf32>
      %add3A_155 = arith.constant 384 : i32
      %add3A_156 = arith.addi %add3A_155, %mul3A_110 : i32
      %add3A_157 = arith.constant 1 : i32
      %add3A_158 = arith.addi %add3A_156, %add3A_157 : i32
      %mul3A_159 = arith.constant 16 : i32
      %mul3A_160 = arith.muli %add3A_158, %mul3A_159 : i32
      %multiple_of3A_161 = tpu.assume_multiple %mul3A_160, 16 : i32
      %get3A_162 = arith.index_cast %multiple_of3A_161 : i32 to index
      %get3A_163 = tpu.vector_load %arg8[%get3A_162] {strides = array<i32>} : memref<8192xi32, #tpu.memory_space<vmem>>, vector<16xi32>,
      %add3A_164 = arith.constant 1 : i32
      %add3A_165 = arith.addi %mul3A_110, %add3A_164 : i32
      %broadcast_in_dim3A_166 = vector.broadcast %add3A_165 : i32 to vector<16xi32>
      %gather3A_167 = tpu.vector_load_idx %arg11[%broadcast_in_dim3A_166, %get3A_163] : memref<128x128xf32, #tpu.memory_space<vmem>>[vector<16xi32>, vector<16xi32>], vector<16xf32>,
      %get3A_168 = arith.index_cast %multiple_of3A_161 : i32 to index
      %get3A_169 = tpu.vector_load %arg9[%get3A_168] {strides = array<i32>} : memref<8192xf32, #tpu.memory_space<vmem>>, vector<16xf32>,
      %abs3A_170 = math.absf %gather3A_167 : vector<16xf32>
      %neg3A_171 = arith.constant 0.000000e+00 : f32
      %neg3A_172 = vector.broadcast %neg3A_171 : f32 to vector<16xf32>
      %neg3A_173 = arith.subf %neg3A_172, %abs3A_170 : vector<16xf32>
      %exp3A_174 = math.exp %neg3A_173 : vector<16xf32>
      %add3A_175 = arith.constant 2.000000e+00 : f32
      %add3A_176 = vector.broadcast %add3A_175 : f32 to vector<16xf32>
      %add3A_177 = arith.addf %exp3A_174, %add3A_176 : vector<16xf32>
      %div3A_178 = arith.divf %exp3A_174, %add3A_177 : vector<16xf32>
      %mul3A_179 = arith.mulf %div3A_178, %div3A_178 : vector<16xf32>
      %mul3A_180 = arith.constant 0.111111112 : f32
      %mul3A_181 = vector.broadcast %mul3A_180 : f32 to vector<16xf32>
      %mul3A_182 = arith.mulf %mul3A_179, %mul3A_181 : vector<16xf32>
      %add3A_183 = arith.constant 0.142857149 : f32
      %add3A_184 = vector.broadcast %add3A_183 : f32 to vector<16xf32>
      %add3A_185 = arith.addf %add3A_184, %mul3A_182 : vector<16xf32>
      %mul3A_186 = arith.mulf %mul3A_179, %add3A_185 : vector<16xf32>
      %add3A_187 = arith.constant 2.000000e-01 : f32
      %add3A_188 = vector.broadcast %add3A_187 : f32 to vector<16xf32>
      %add3A_189 = arith.addf %add3A_188, %mul3A_186 : vector<16xf32>
      %mul3A_190 = arith.mulf %mul3A_179, %add3A_189 : vector<16xf32>
      %add3A_191 = arith.constant 0.333333343 : f32
      %add3A_192 = vector.broadcast %add3A_191 : f32 to vector<16xf32>
      %add3A_193 = arith.addf %add3A_192, %mul3A_190 : vector<16xf32>
      %mul3A_194 = arith.mulf %mul3A_179, %add3A_193 : vector<16xf32>
      %add3A_195 = arith.constant 1.000000e+00 : f32
      %add3A_196 = vector.broadcast %add3A_195 : f32 to vector<16xf32>
      %add3A_197 = arith.addf %add3A_196, %mul3A_194 : vector<16xf32>
      %max3A_198 = arith.constant 0.000000e+00 : f32
      %max3A_199 = vector.broadcast %max3A_198 : f32 to vector<16xf32>
      %max3A_200 = arith.maximumf %gather3A_167, %max3A_199 : vector<16xf32>
      %mul3A_201 = arith.constant 2.000000e+00 : f32
      %mul3A_202 = vector.broadcast %mul3A_201 : f32 to vector<16xf32>
      %mul3A_203 = arith.mulf %mul3A_202, %div3A_178 : vector<16xf32>
      %mul3A_204 = arith.mulf %mul3A_203, %add3A_197 : vector<16xf32>
      %add3A_205 = arith.addf %max3A_200, %mul3A_204 : vector<16xf32>
      %mul3A_206 = arith.mulf %add3A_205, %get3A_169 : vector<16xf32>
      %add3A_207 = arith.constant 384 : i32
      %add3A_208 = arith.addi %add3A_207, %mul3A_110 : i32
      %add3A_209 = arith.constant 2 : i32
      %add3A_210 = arith.addi %add3A_208, %add3A_209 : i32
      %mul3A_211 = arith.constant 16 : i32
      %mul3A_212 = arith.muli %add3A_210, %mul3A_211 : i32
      %multiple_of3A_213 = tpu.assume_multiple %mul3A_212, 16 : i32
      %get3A_214 = arith.index_cast %multiple_of3A_213 : i32 to index
      %get3A_215 = tpu.vector_load %arg8[%get3A_214] {strides = array<i32>} : memref<8192xi32, #tpu.memory_space<vmem>>, vector<16xi32>,
      %add3A_216 = arith.constant 2 : i32
      %add3A_217 = arith.addi %mul3A_110, %add3A_216 : i32
      %broadcast_in_dim3A_218 = vector.broadcast %add3A_217 : i32 to vector<16xi32>
      %gather3A_219 = tpu.vector_load_idx %arg11[%broadcast_in_dim3A_218, %get3A_215] : memref<128x128xf32, #tpu.memory_space<vmem>>[vector<16xi32>, vector<16xi32>], vector<16xf32>,
      %get3A_220 = arith.index_cast %multiple_of3A_213 : i32 to index
      %get3A_221 = tpu.vector_load %arg9[%get3A_220] {strides = array<i32>} : memref<8192xf32, #tpu.memory_space<vmem>>, vector<16xf32>,
      %abs3A_222 = math.absf %gather3A_219 : vector<16xf32>
      %neg3A_223 = arith.constant 0.000000e+00 : f32
      %neg3A_224 = vector.broadcast %neg3A_223 : f32 to vector<16xf32>
      %neg3A_225 = arith.subf %neg3A_224, %abs3A_222 : vector<16xf32>
      %exp3A_226 = math.exp %neg3A_225 : vector<16xf32>
      %add3A_227 = arith.constant 2.000000e+00 : f32
      %add3A_228 = vector.broadcast %add3A_227 : f32 to vector<16xf32>
      %add3A_229 = arith.addf %exp3A_226, %add3A_228 : vector<16xf32>
      %div3A_230 = arith.divf %exp3A_226, %add3A_229 : vector<16xf32>
      %mul3A_231 = arith.mulf %div3A_230, %div3A_230 : vector<16xf32>
      %mul3A_232 = arith.constant 0.111111112 : f32
      %mul3A_233 = vector.broadcast %mul3A_232 : f32 to vector<16xf32>
      %mul3A_234 = arith.mulf %mul3A_231, %mul3A_233 : vector<16xf32>
      %add3A_235 = arith.constant 0.142857149 : f32
      %add3A_236 = vector.broadcast %add3A_235 : f32 to vector<16xf32>
      %add3A_237 = arith.addf %add3A_236, %mul3A_234 : vector<16xf32>
      %mul3A_238 = arith.mulf %mul3A_231, %add3A_237 : vector<16xf32>
      %add3A_239 = arith.constant 2.000000e-01 : f32
      %add3A_240 = vector.broadcast %add3A_239 : f32 to vector<16xf32>
      %add3A_241 = arith.addf %add3A_240, %mul3A_238 : vector<16xf32>
      %mul3A_242 = arith.mulf %mul3A_231, %add3A_241 : vector<16xf32>
      %add3A_243 = arith.constant 0.333333343 : f32
      %add3A_244 = vector.broadcast %add3A_243 : f32 to vector<16xf32>
      %add3A_245 = arith.addf %add3A_244, %mul3A_242 : vector<16xf32>
      %mul3A_246 = arith.mulf %mul3A_231, %add3A_245 : vector<16xf32>
      %add3A_247 = arith.constant 1.000000e+00 : f32
      %add3A_248 = vector.broadcast %add3A_247 : f32 to vector<16xf32>
      %add3A_249 = arith.addf %add3A_248, %mul3A_246 : vector<16xf32>
      %max3A_250 = arith.constant 0.000000e+00 : f32
      %max3A_251 = vector.broadcast %max3A_250 : f32 to vector<16xf32>
      %max3A_252 = arith.maximumf %gather3A_219, %max3A_251 : vector<16xf32>
      %mul3A_253 = arith.constant 2.000000e+00 : f32
      %mul3A_254 = vector.broadcast %mul3A_253 : f32 to vector<16xf32>
      %mul3A_255 = arith.mulf %mul3A_254, %div3A_230 : vector<16xf32>
      %mul3A_256 = arith.mulf %mul3A_255, %add3A_249 : vector<16xf32>
      %add3A_257 = arith.addf %max3A_252, %mul3A_256 : vector<16xf32>
      %mul3A_258 = arith.mulf %add3A_257, %get3A_221 : vector<16xf32>
      %add3A_259 = arith.constant 384 : i32
      %add3A_260 = arith.addi %add3A_259, %mul3A_110 : i32
      %add3A_261 = arith.constant 3 : i32
      %add3A_262 = arith.addi %add3A_260, %add3A_261 : i32
      %mul3A_263 = arith.constant 16 : i32
      %mul3A_264 = arith.muli %add3A_262, %mul3A_263 : i32
      %multiple_of3A_265 = tpu.assume_multiple %mul3A_264, 16 : i32
      %get3A_266 = arith.index_cast %multiple_of3A_265 : i32 to index
      %get3A_267 = tpu.vector_load %arg8[%get3A_266] {strides = array<i32>} : memref<8192xi32, #tpu.memory_space<vmem>>, vector<16xi32>,
      %add3A_268 = arith.constant 3 : i32
      %add3A_269 = arith.addi %mul3A_110, %add3A_268 : i32
      %broadcast_in_dim3A_270 = vector.broadcast %add3A_269 : i32 to vector<16xi32>
      %gather3A_271 = tpu.vector_load_idx %arg11[%broadcast_in_dim3A_270, %get3A_267] : memref<128x128xf32, #tpu.memory_space<vmem>>[vector<16xi32>, vector<16xi32>], vector<16xf32>,
      %get3A_272 = arith.index_cast %multiple_of3A_265 : i32 to index
      %get3A_273 = tpu.vector_load %arg9[%get3A_272] {strides = array<i32>} : memref<8192xf32, #tpu.memory_space<vmem>>, vector<16xf32>,
      %abs3A_274 = math.absf %gather3A_271 : vector<16xf32>
      %neg3A_275 = arith.constant 0.000000e+00 : f32
      %neg3A_276 = vector.broadcast %neg3A_275 : f32 to vector<16xf32>
      %neg3A_277 = arith.subf %neg3A_276, %abs3A_274 : vector<16xf32>
      %exp3A_278 = math.exp %neg3A_277 : vector<16xf32>
      %add3A_279 = arith.constant 2.000000e+00 : f32
      %add3A_280 = vector.broadcast %add3A_279 : f32 to vector<16xf32>
      %add3A_281 = arith.addf %exp3A_278, %add3A_280 : vector<16xf32>
      %div3A_282 = arith.divf %exp3A_278, %add3A_281 : vector<16xf32>
      %mul3A_283 = arith.mulf %div3A_282, %div3A_282 : vector<16xf32>
      %mul3A_284 = arith.constant 0.111111112 : f32
      %mul3A_285 = vector.broadcast %mul3A_284 : f32 to vector<16xf32>
      %mul3A_286 = arith.mulf %mul3A_283, %mul3A_285 : vector<16xf32>
      %add3A_287 = arith.constant 0.142857149 : f32
      %add3A_288 = vector.broadcast %add3A_287 : f32 to vector<16xf32>
      %add3A_289 = arith.addf %add3A_288, %mul3A_286 : vector<16xf32>
      %mul3A_290 = arith.mulf %mul3A_283, %add3A_289 : vector<16xf32>
      %add3A_291 = arith.constant 2.000000e-01 : f32
      %add3A_292 = vector.broadcast %add3A_291 : f32 to vector<16xf32>
      %add3A_293 = arith.addf %add3A_292, %mul3A_290 : vector<16xf32>
      %mul3A_294 = arith.mulf %mul3A_283, %add3A_293 : vector<16xf32>
      %add3A_295 = arith.constant 0.333333343 : f32
      %add3A_296 = vector.broadcast %add3A_295 : f32 to vector<16xf32>
      %add3A_297 = arith.addf %add3A_296, %mul3A_294 : vector<16xf32>
      %mul3A_298 = arith.mulf %mul3A_283, %add3A_297 : vector<16xf32>
      %add3A_299 = arith.constant 1.000000e+00 : f32
      %add3A_300 = vector.broadcast %add3A_299 : f32 to vector<16xf32>
      %add3A_301 = arith.addf %add3A_300, %mul3A_298 : vector<16xf32>
      %max3A_302 = arith.constant 0.000000e+00 : f32
      %max3A_303 = vector.broadcast %max3A_302 : f32 to vector<16xf32>
      %max3A_304 = arith.maximumf %gather3A_271, %max3A_303 : vector<16xf32>
      %mul3A_305 = arith.constant 2.000000e+00 : f32
      %mul3A_306 = vector.broadcast %mul3A_305 : f32 to vector<16xf32>
      %mul3A_307 = arith.mulf %mul3A_306, %div3A_282 : vector<16xf32>
      %mul3A_308 = arith.mulf %mul3A_307, %add3A_301 : vector<16xf32>
      %add3A_309 = arith.addf %max3A_304, %mul3A_308 : vector<16xf32>
      %mul3A_310 = arith.mulf %add3A_309, %get3A_273 : vector<16xf32>
      %add3A_311 = arith.addf %mul3A_154, %mul3A_206 : vector<16xf32>
      %add3A_312 = arith.addf %mul3A_258, %mul3A_310 : vector<16xf32>
      %add3A_313 = arith.addf %add3A_311, %add3A_312 : vector<16xf32>
      %add3A_314 = arith.addf %scan3A_108, %add3A_313 : vector<16xf32>
      scf.yield %add3A_314 : vector<16xf32>
    }
    %scan3A_102 = arith.constant 32 : i32
    %mul3A_103 = arith.constant 6.10351563E-5 : f32
    %mul3A_104 = vector.broadcast %mul3A_103 : f32 to vector<16xf32>
    %mul3A_105 = arith.mulf %scan3A_101, %mul3A_104 : vector<16xf32>
    %swap3A = arith.constant 0 : index
    %swap3A_106 = tpu.vector_load %arg12[%swap3A] {strides = array<i32>} : memref<16xf32, #tpu.memory_space<vmem>>, vector<16xf32>,
    tpu.vector_store %arg12[%swap3A], %mul3A_105 {strides = array<i32>} : memref<16xf32, #tpu.memory_space<vmem>>, vector<16xf32>,
    "tpu.region"() ({
      %run_scoped3A = tpu.sem_alloc : memref<!tpu.dma_semaphore, #tpu.memory_space<semaphore_mem>>
      %dma_start3A_107 = arith.constant 0 : i32
      %dma_start3A_108 = tpu.memref_slice %arg6[%add3A, %dma_start3A_107] : memref<32x16xf32, #tpu.memory_space<hbm>> -> memref<1x16xf32, #tpu.memory_space<hbm>>
      %dma_start3A_109 = tpu.memref_squeeze %dma_start3A_108 : memref<1x16xf32, #tpu.memory_space<hbm>> -> memref<16xf32, #tpu.memory_space<hbm>>
      %dma_start3A_110 = arith.constant 0 : i32
      %dma_start3A_111 = tpu.memref_slice %arg6[%add3A, %dma_start3A_110] : memref<32x16xf32, #tpu.memory_space<hbm>> -> memref<1x16xf32, #tpu.memory_space<hbm>>
      %dma_start3A_112 = tpu.memref_squeeze %dma_start3A_111 : memref<1x16xf32, #tpu.memory_space<hbm>> -> memref<16xf32, #tpu.memory_space<hbm>>
      tpu.enqueue_dma source(%arg12 : memref<16xf32, #tpu.memory_space<vmem>>) target(%dma_start3A_112 : memref<16xf32, #tpu.memory_space<hbm>>) target_semaphore(%run_scoped3A : memref<!tpu.dma_semaphore, #tpu.memory_space<semaphore_mem>>)
      %dma_wait3A_113 = arith.constant 0 : i32
      %dma_wait3A_114 = tpu.memref_slice %arg6[%add3A, %dma_wait3A_113] : memref<32x16xf32, #tpu.memory_space<hbm>> -> memref<1x16xf32, #tpu.memory_space<hbm>>
      %dma_wait3A_115 = tpu.memref_squeeze %dma_wait3A_114 : memref<1x16xf32, #tpu.memory_space<hbm>> -> memref<16xf32, #tpu.memory_space<hbm>>
      %dma_wait3A_116 = arith.constant 0 : i32
      %dma_wait3A_117 = tpu.memref_slice %arg6[%add3A, %dma_wait3A_116] : memref<32x16xf32, #tpu.memory_space<hbm>> -> memref<1x16xf32, #tpu.memory_space<hbm>>
      %dma_wait3A_118 = tpu.memref_squeeze %dma_wait3A_117 : memref<1x16xf32, #tpu.memory_space<hbm>> -> memref<16xf32, #tpu.memory_space<hbm>>
      tpu.wait_dma2 semaphore(%run_scoped3A : memref<!tpu.dma_semaphore, #tpu.memory_space<semaphore_mem>>) src(%arg12 : memref<16xf32, #tpu.memory_space<vmem>>) dst(%dma_wait3A_118 : memref<16xf32, #tpu.memory_space<hbm>>)
      tpu.yield
    }) : () -> ()
    return
  }
}

module attributes {stable_mosaic.version = 14 : i64} {
  func.func @_tc_sum_body(%arg0: memref<32x16xf32, #tpu.memory_space<vmem>>, %arg1: memref<1x1xf32, #tpu.memory_space<smem>>) attributes {dimension_semantics = [], scalar_prefetch = 0 : i64, scratch_operands = 0 : i64, tpu.core_type = #tpu.core_type<tc>} {
    %get3A = arith.constant 0 : index
    %get3A_0 = arith.constant 0 : index
    %get3A_1 = vector.load %arg0[%get3A, %get3A_0] : memref<32x16xf32, #tpu.memory_space<vmem>>, vector<32x16xf32>
    %reduce_sum3A = vector.shape_cast %get3A_1 : vector<32x16xf32> to vector<1x32x16xf32>
    %reduce_sum3A_2 = arith.constant dense<0.000000e+00> : vector<1xf32>
    %reduce_sum3A_3 = vector.multi_reduction <add>, %reduce_sum3A, %reduce_sum3A_2 [1, 2] : vector<1x32x16xf32> to vector<1xf32>
    %reduce_sum3A_4 = vector.shape_cast %reduce_sum3A_3 : vector<1xf32> to vector<1x1x1xf32>
    %reduce_sum3A_5 = vector.extract %reduce_sum3A_4[0, 0, 0] : f32 from vector<1x1x1xf32>
    %swap3A = arith.constant 0 : index
    %swap3A_6 = arith.constant 0 : index
    %swap3A_7 = memref.load %arg1[%swap3A, %swap3A_6] : memref<1x1xf32, #tpu.memory_space<smem>>
    memref.store %reduce_sum3A_5, %arg1[%swap3A, %swap3A_6] : memref<1x1xf32, #tpu.memory_space<smem>>
    return
  }
}

</mosaic_0001>

<sc_bundles>
// kernel: kernel.4.cloned.1.call-start
scs
__scs_entry_jumppad:
0x0: {  	(pc) =	sbr.rel $0x88, $3  }
0x1: {  	(tag) =	ssettag $0x0;
	lr =	simm.s32 $0x1  }
0x2: {  	[smem:$0x3F9E] =	sst lr;
	_ =	strace $0xD0000000  }
0x3: {  	_ = 	snop  }
0x4: {  	_ = 	snop  }
0x5: {  	_ = 	snop  }
0x6: {  	_ = 	snop  }
0x7: {  	_ = 	snop  }
__scs_overlays_trampoline_lowered:
0x8: {  	[smem:$0x3FAD] =	sst s0  }
0x9: {  	[smem:$0x3FAE] =	sst s1  }
0xa: {  	[smem:$0x3FAF] =	sst s2  }
0xb: {  	[smem:$0x3FB0] =	sst s3  }
0xc: {  	[smem:$0x3FB1] =	sst s4  }
0xd: {  	[smem:$0x3FB2] =	sst s5  }
0xe: {  	[smem:$0x3FB3] =	sst s6  }
0xf: {  	[smem:$0x3FB4] =	sst s7  }
0x10: {  	[smem:$0x3FB5] =	sst s8  }
0x11: {  	[smem:$0x3FB6] =	sst s9;
	s0 =	simm.s32 @!p0 $0x0  }
0x12: {  	s1 =	sld [smem:$0x3F9C];
	s0 =	simm.s32 @p0 $0x1  }
0x13: {  	[smem:$0x3FB7] =	sst s0;
	s0 =	simm.s32 @!p1 $0x0  }
0x14: {  	s2 =	sld [smem:$0x3F9B];
	s0 =	simm.s32 @p1 $0x1  }
0x15: {  	[smem:$0x3FB8] =	sst s0;
	s0 =	simm.s32 @!p2 $0x0  }
0x16: {  	s3 =	sld [smem:$0x3FDB];
	s0 =	simm.s32 @p2 $0x1  }
0x17: {  	s4 =	simm.s32 $0x1BF5;
	[smem:$0x3FBA] =	sst s0  }
0x18: {  	s0 =	sld [smem:$0x3F9D];
	_ =	swait.ge [sflag:s4], $0x0  }
0x19: {  	s7 =	sld [smem:$0x3F9E]  }
0x1a: {  	s8 =	sadd.s32 $0xFFFFE003, lr  }
0x1b: {  	s9 =	sadd.s32 $0xFFFFFEF7, lr;
	s5 =	simm.s32 $0xFFFFFFFF;
	p2 =	slt.u32 s8, $0xFFFFF086  }
0x1c: {  	p1 =	slt.u32 s9, $0xF7A;
	s5 =	simm.s32 @!p2 $0x0  }
0x1d: {  	s5 =	simm.s32 @p1 $0x1;
	p0 =	seq.s32 s7, s2  }
0x1e: {  	s7 =	smul.u32 @!p0 $0xF7A, s2;
	p2 =	seq.s32 @!p0 s5, $0x0  }
0x1f: {  	s9 =	smul.u32 $0xF7A, s1;
	s8 =	simm.s32 @!p0 $0x1BF5;
	p2 =	por !p2, p0  }
0x20: {  	[sflag:s8] =	ssyncset.s32 @!p0 $0xFFFFF086;
	s6 =	sadd.s32 @!p0 s3, s7;
	s7 =	simm.s32 @!p0 $0x108  }
0x21: {  	s3 =	sadd.s32 s3, s9;
	s6 =	sadd.s32 @!p0 $0x88, s6;
	s7 =	simm.s32 @p2 $0x1082  }
0x22: {  	[simem:s7], [sflag:s8] =	dma.local @!p0 [hbm:s6], $0xF7A  }
0x23: {  	s9 =	sor.u32 $0xD0000000, s2;
	s6 =	simm.s32 $0x108;
	_ =	swait.ge @!p0 [sflag:s8], $0x0  }
0x24: {  	s3 =	sadd.s32 $0x88, s3;
	s6 =	simm.s32 @!p1 $0x1082;
	[sflag:s4] =	ssyncset.s32 $0xFFFFF086  }
0x25: {  	[simem:s6], [sflag:s4] =	dma.local [hbm:s3], $0xF7A  }
0x26: {  	[smem:$0x3F9E] =	sst s1;
	(tag) =	ssettag s2;
	_ =	strace s9  }
0x27: {  	s1 =	sld [smem:$0x3FAE]  }
0x28: {  	s2 =	sld [smem:$0x3FAF]  }
0x29: {  	s4 =	sld [smem:$0x3FB1]  }
0x2a: {  	p0 =	seq.s32 s5, $0x0;
	s5 =	sld [smem:$0x3FB2]  }
0x2b: {  	s6 =	sld [smem:$0x3FB3]  }
0x2c: {  	s7 =	sld [smem:$0x3FB4]  }
0x2d: {  	s3 =	simm.s32 $0x108;
	s8 =	sld [smem:$0x3FB5]  }
0x2e: {  	s3 =	simm.s32 @!p0 $0x1082;
	s9 =	sld [smem:$0x3FB6]  }
0x2f: {  	lr =	sadd.s32 s0, s3;
	s0 =	sld [smem:$0x3FAD]  }
0x30: {  	s3 =	sld [smem:$0x3FB0]  }
0x31: {  	[smem:$0x3FB9] =	sst s10  }
0x32: {  	s10 =	sld [smem:$0x3FB7];
	_ =	sdelay $0x3  }
0x33: {  	p0 =	seq.s32 s10, $0x1;
	s10 =	sld [smem:$0x3FB9];
	_ =	sdelay $0x3  }
0x34: {  	[smem:$0x3FB9] =	sst s10  }
0x35: {  	s10 =	sld [smem:$0x3FB8];
	_ =	sdelay $0x3  }
0x36: {  	p1 =	seq.s32 s10, $0x1;
	s10 =	sld [smem:$0x3FB9];
	_ =	sdelay $0x3  }
0x37: {  	[smem:$0x3FB9] =	sst s10  }
0x38: {  	s10 =	sld [smem:$0x3FBA]  }
0x39: {  	_ = 	snop;
	(pc) =	sbr.ind lr, $3  }
0x3a: {  	_ = 	snop  }
0x3b: {  	_ = 	snop  }
0x3c: {  	p2 =	seq.s32 s10, $0x1;
	s10 =	sld [smem:$0x3FB9]  }
0x3d: {  	_ =	shalt  }
0x3e: {  	_ =	shalt  }
0x3f: {  	_ =	shalt  }
0x40: {  	_ =	shalt  }
0x41: {  	_ =	shalt  }
0x42: {  	_ =	shalt  }
0x43: {  	_ =	shalt  }
0x44: {  	_ =	shalt  }
0x45: {  	_ =	shalt  }
0x46: {  	_ =	shalt  }
0x47: {  	_ =	shalt  }
0x48: {  	_ =	shalt  }
0x49: {  	_ =	shalt  }
0x4a: {  	_ =	shalt  }
0x4b: {  	_ =	shalt  }
0x4c: {  	_ =	shalt  }
0x4d: {  	_ =	shalt  }
0x4e: {  	_ =	shalt  }
0x4f: {  	_ =	shalt  }
0x50: {  	_ =	shalt  }
0x51: {  	_ =	shalt  }
0x52: {  	_ =	shalt  }
0x53: {  	_ =	shalt  }
0x54: {  	_ =	shalt  }
0x55: {  	_ =	shalt  }
0x56: {  	_ =	shalt  }
0x57: {  	_ =	shalt  }
0x58: {  	_ =	shalt  }
0x59: {  	_ =	shalt  }
0x5a: {  	_ =	shalt  }
0x5b: {  	_ =	shalt  }
0x5c: {  	_ =	shalt  }
0x5d: {  	_ =	shalt  }
0x5e: {  	_ =	shalt  }
0x5f: {  	_ =	shalt  }
0x60: {  	_ =	shalt  }
0x61: {  	_ =	shalt  }
0x62: {  	_ =	shalt  }
0x63: {  	_ =	shalt  }
0x64: {  	_ =	shalt  }
0x65: {  	_ =	shalt  }
0x66: {  	_ =	shalt  }
0x67: {  	_ =	shalt  }
0x68: {  	_ =	shalt  }
0x69: {  	_ =	shalt  }
0x6a: {  	_ =	shalt  }
0x6b: {  	_ =	shalt  }
0x6c: {  	_ =	shalt  }
0x6d: {  	_ =	shalt  }
0x6e: {  	_ =	shalt  }
0x6f: {  	_ =	shalt  }
0x70: {  	_ =	shalt  }
0x71: {  	_ =	shalt  }
0x72: {  	_ =	shalt  }
0x73: {  	_ =	shalt  }
0x74: {  	_ =	shalt  }
0x75: {  	_ =	shalt  }
0x76: {  	_ =	shalt  }
0x77: {  	_ =	shalt  }
0x78: {  	_ =	shalt  }
0x79: {  	_ =	shalt  }
0x7a: {  	_ =	shalt  }
0x7b: {  	_ =	shalt  }
0x7c: {  	_ =	shalt  }
0x7d: {  	_ =	shalt  }
0x7e: {  	_ =	shalt  }
0x7f: {  	_ =	shalt  }
0x80: {  	_ =	shalt  }
0x81: {  	_ =	shalt  }
0x82: {  	_ =	shalt  }
0x83: {  	_ =	shalt  }
0x84: {  	_ =	shalt  }
0x85: {  	_ =	shalt  }
0x86: {  	_ =	shalt  }
0x87: {  	_ =	shalt  }
.Lfunc_end0:
.L_simem_size_0:
called_computation_lowered:
.L_overlay_start_0:
0x88: {  	s2 =	sld [smem:$0x3FD9]  }
0x89: {  	s3 =	sld [smem:$0x3FFE];
	_ =	sdelay $0x1  }
0x8a: {  	s1 =	srdreg.scid  }
0x8b: {  	s0 =	sand.u32 $0x1, s1  }
0x8c: {  	s16 =	sshll.u32 s0, $0xA;
	s2 =	sadd.s32 s3, s2  }
0x8d: {  	s2 =	sadd.s32 s2, s16  }
0x8e: {  	[smem:$0x3FC5] =	sst s2  }
0x8f: {  	_ = 	snop  }
0x90: {  	(tm) =	ssettm $0x1  }
0x91: {  	s17 =	sld [smem:$0x3FFB];
	_ =	sdelay $0x3  }
0x92: {  	_ =	strace s17  }
0x93: {  	s2 =	sld [smem:$0x3FFC];
	_ =	sdelay $0x3  }
0x94: {  	_ =	strace s2  }
0x95: {  	s2 =	sld [smem:$0x3FFD];
	_ =	sdelay $0x3  }
0x96: {  	_ =	strace s2  }
0x97: {  	_ =	strace $0x8FFFFFFF  }
0x98: {  	s18 =	sld [smem:$0x3FDB];
	_ =	sdelay $0x1  }
0x99: {  	s19 =	simm.s32 $_scs_section_size  }
0x9a: {  	s4 =	simm.s32 $_size__tile_overlayer_lowered;
	s5 =	simm.s32 $_tile_overlayer_lowered  }
0x9b: {  	s22 =	simm.s32 $0x1BFF;
	s21 =	sshll.u32 s5, $0x1;
	s2 =	sadd.s32 s19, s18  }
0x9c: {  	s6 =	simm.s32 $0x0;
	s20 =	sshll.u32 s4, $0x1;
	s4 =	sadd.s32 s21, s2  }
0x9d: {  	[timem:s6], [sflag:s22] =	dma.local [hbm:s4], s20  }
0x9e: {  	_ =	swait.ge [sflag:s22], s20  }
0x9f: {  	s3 =	ssub.s32 $0x0, s20;
	[sflag:s22] =	ssyncset.done $0x0  }
0xa0: {  	[sflag:s22] =	ssyncadd.s32 s3;
	_ =	sdelay $0x1  }
0xa1: {  	s23 =	simm.s32 $0x1B8B  }
0xa2: {  	_ =	swait.ge [sflag:s23], $0x1  }
0xa3: {  	[sflag:s23] =	ssyncset.done $0x0  }
0xa4: {  	s25 =	simm.s32 $0x1B8E;
	s24 =	sld [smem:$0x3FFE];
	[sflag:s23] =	ssyncadd.s32 $0xFFFFFFFF  }
0xa5: {  	s26 =	simm.s32 $execute0_lowered;
	[smem:$0x3FD2] =	sst s25  }
0xa6: {  	s4 =	sshll.u32 s26, $0x1;
	_ =	strace $0x80000046;
	[dreg:$0x1] =	wrdreg $0xFFFFFFFF  }
0xa7: {  	s28 =	simm.s32 $_size_execute0_lowered;
	s2 =	sadd.s32 s2, s4;
	[dreg:$0x0] =	wrdreg $0x0  }
0xa8: {  	s4 =	sshll.u32 s28, $0x1;
	[dreg:$0x2] =	wrdreg s2  }
0xa9: {  	[dreg:$0x3] =	wrdreg s4  }
0xaa: {  	[dreg:$0x4] =	wrdreg $0xC0  }
0xab: {  	_ =	task [dreg:s6], $0x5FFFF  }
0xac: {  	[dreg:$0x1] =	wrdreg $0xFFFFFFFF  }
0xad: {  	[dreg:$0x0] =	wrdreg $0x60  }
0xae: {  	[dreg:$0x2] =	wrdreg s24  }
0xaf: {  	[dreg:$0x3] =	wrdreg $0x9  }
0xb0: {  	_ =	task.clear_ibuf [dreg:s6], $0x4FFFF;
	_ =	strace $0x90000046  }
0xb1: {  	s29 =	simm.s32 $0x9;
	_ =	strace $0x80000048  }
0xb2: {  	_ =	swait.ge [sflag:s29], $0x1  }
0xb3: {  	[sflag:s29] =	ssyncadd.s32 $0xFFFFFFFF  }
0xb4: {  	_ =	strace $0x90000048  }
0xb5: {  	_ =	sfence  }
0xb6: {  	s30 =	sld [smem:$0x0];
	_ =	sdelay $0x2  }
0xb7: {  	s31 =	sshll.u32 s1, $0xD;
	s1 =	sshrl.u32 s1, $0x2  }
0xb8: {  	s3 =	sand.u32 $0x4000, s31;
	s1 =	sadd.s32 s1, s30  }
0xb9: {  	s0 =	sor.u32 s3, s0;
	s1 =	sshll.u32 s1, $0x11  }
0xba: {  	s0 =	sor.u32 s1, s0  }
0xbb: {  	s0 =	sadd.s32 $0x8F2B, s0  }
0xbc: {  	[sflag:s0] =	ssyncadd.remote.s32 $0x1  }
0xbd: {  	_ =	sfence.sel $0xFFFF  }
0xbe: {  	[dreg:$0x0] =	wrdreg $0xFFFFFFFF;
	(pc) =	sbr.abs _section_cstart, $3  }
0xbf: {  	[dreg:$0x1] =	wrdreg $0xFFFFFFFF  }
0xc0: {  	_ =	task.clear_ibuf [dreg:s6], $0x2FFFF;
	_ =	strace $0x9FFFFFFF  }
0xc1: {  	(tm) =	ssettm $0x7FFFFFFF  }
tec
execute0_lowered:
.L_overlay_start_1:
0x0: {  	(tag) =	ssettag $0x1  }
0x1: {  	s1 =	srdreg.scid  }
0x2: {  	s0 =	stileid.u32;
	s4 =	rddreg [dreg:$0x0];
	s11 =	simm.s32 $0x400  }
0x3: {  	s12 =	simm.s32 $0x2200;
	s13 =	simm.s32 $0x200;
	s14 =	simm.s32 $0x4200  }
0x4: {  	s15 =	simm.s32 $0x3;
	s16 =	simm.s32 $0x8200;
	s17 =	simm.s32 $0x1  }
0x5: {  	s18 =	simm.s32 $0x100;
	s19 =	simm.s32 $0x2;
	s20 =	simm.s32 $0x180  }
0x6: {  	s21 =	simm.s32 $0xC200;
	s22 =	simm.s32 $0x0;
	s3 =	sand.u32 $0x1, s1  }
0x7: {  	s2 =	sshll.u32 s0, $0x1;
	s1 =	rddreg [dreg:$0x1];
	s6 =	sshrl.u32 s0, $0x2  }
0x8: {  	s5 =	sor.u32 s3, s2;
	s2 =	simm.s32 $0x0;
	s8 =	sshll.u32 s6, $0x10  }
0x9: {  	s6 =	sshll.u32 s6, $0xA;
	s31 =	ssub.s32 $0x2, s3;
	s3 =	sadd.s32 $0xF4BE00, s4  }
0xa: {  	s7 =	sshll.u32 s5, $0x7;
	[smem:$0x7FF] =	sst s2;
	s5 =	sshll.u32 s5, $0x6  }
0xb: {  	s9 =	sshrl.u32 s31, $0x1;
	s7 =	sand.u32 $0x380, s7;
	_ =	strace $0x80000047  }
0xc: {  	s5 =	sadd.s32 s5, s4;
	s8 =	sor.u32 s8, s7;
	s6 =	sor.u32 s6, s7  }
0xd: {  	s9 =	ssub.s32 s31, s9;
	s8 =	sshrl.u32 s8, $0x3;
	s6 =	sshrl.u32 s6, $0x3  }
0xe: {  	s8 =	sadd.s32 s8, s4;
	s10 =	sadd.s32 s6, s4;
	s4 =	sadd.s32 $0xE00, s5  }
0xf: {  	s5 =	sadd.s32 $0x9A00, s8;
	s6 =	sadd.s32 $0x1600, s8;
	s7 =	sadd.s32 $0x9600, s10  }
0x10: {  	s8 =	smax.u32 s9, $0x1;
	s9 =	simm.s32 $0x4;
	s10 =	simm.s32 $0x80  }
.LBB2_1:
0x11: {  	[tilespmem:s2], [sflag:$0x4] =	stream.linear.gather [hbm4b:s4+s2], $0x200, $0x38;
	[tilespmem:$0xC280] =	vst v63  }
0x12: {  	_ =	swait.ge [sflag:s9], $0x200  }
0x13: {  	[sflag:s9] =	ssyncset.done $0x0  }
0x14: {  	[sflag:s9] =	ssyncadd.s32 $0xFFFFFE00  }
0x15: {  	[tilespmem:s12], [sflag:$0x3] =	stream.strided.gather [hbm4b:s5+s10], $0x2000, s11, s10, $0x38;
	[tilespmem:$0xC280] =	vst v63  }
0x16: {  	_ = 	snop  }
0x17: {  	[tilespmem:s13], [sflag:$0x3] =	stream.strided.gather [hbm4b:s6+s10], $0x2000, s11, s10, $0x38;
	[tilespmem:$0xC280] =	vst v63  }
0x18: {  	_ = 	snop  }
0x19: {  	[tilespmem:s14], [sflag:$0x1] =	stream.indirect.gather [hbm4b:s3+s10], $0x80, s2, s10, $0xb8;
	[tilespmem:$0xC280] =	vst v63  }
0x1a: {  	_ =	swait.ge [sflag:s15], $0x2000  }
0x1b: {  	[sflag:s15] =	ssyncset.done $0x0  }
0x1c: {  	[sflag:s15] =	ssyncadd.s32 $0xFFFFE000  }
0x1d: {  	_ =	swait.ge [sflag:s15], $0x2000  }
0x1e: {  	[sflag:s15] =	ssyncset.done $0x0  }
0x1f: {  	[sflag:s15] =	ssyncadd.s32 $0xFFFFE000  }
0x20: {  	[tilespmem:s16], [sflag:$0x2] =	stream.indirect.gather [hbm4b:s3+s10], $0x80, s10, s10, $0xb8;
	[tilespmem:$0xC280] =	vst v63  }
0x21: {  	_ =	swait.ge [sflag:s17], $0x4000  }
0x22: {  	[sflag:s17] =	ssyncset.done $0x0  }
0x23: {  	s23 =	simm.s32 $0x220;
	[sflag:s17] =	ssyncadd.s32 $0xFFFFC000  }
0x24: {  	v0 =	vld [tilespmem:s23+$0x10];
	_ =	sdelay $0x4  }
0x25: {  	s24 =	simm.s32 $0x180;
	v1 =	vand.u32 $0xFFFFFF80, v0  }
0x26: {  	v0 =	vand.u32 $0x7F, v0;
	v1 =	vadd.s32 s24, v1  }
0x27: {  	v0 =	vor.u32 v0, v1  }
0x28: {  	v1 =	vld [tilespmem:s23+$0x0];
	_ =	sdelay $0x2  }
0x29: {  	v2 =	vld [tilespmem:s23+$0xFFFFFFF0]  }
0x2a: {  	v0 =	vld.idx.msk [tilespmem:v0+s14+$0x0], $0xffff  }
0x2b: {  	s31 =	simm.s32 $0x100;
	v3 =	vand.u32 $0xFFFFFF80, v1  }
0x2c: {  	v1 =	vand.u32 $0x7F, v1;
	v3 =	vadd.s32 s31, v3  }
0x2d: {  	v1 =	vor.u32 v1, v3  }
0x2e: {  	s25 =	simm.s32 $0x80;
	v3 =	vand.u32 $0xFFFFFF80, v2  }
0x2f: {  	v2 =	vand.u32 $0x7F, v2;
	v3 =	vadd.s32 s25, v3;
	v4 =	vand.u32 $0x7FFFFFFF, v0  }
0x30: {  	v3 =	vor.u32 v2, v3;
	v2 =	vsub.f32 $0.0e+00, v4;
	_ =	sdelay $0x1  }
0x31: {  	v4 =	vmul.f32 $1.442695020e+00, v2;
	v2 =	vld.idx.msk [tilespmem:v1+s14+$0x0], $0xffff  }
0x32: {  	v1 =	vld [tilespmem:s23+$0xFFFFFFE0];
	_ =	sdelay $0x1  }
0x33: {  	v3 =	vld.idx.msk [tilespmem:v3+s14+$0x0], $0xffff;
	(erf) = vpow2.f32 v4;
	_ =	sdelay $0x2  }
0x34: {  	s26 =	simm.s32 $0x260;
	s28 =	simm.s32 $0x0;
	v6 =	vand.u32 $0xFFFFFF80, v1  }
0x35: {  	v5 =	vld [tilespmem:s26+$0x10];
	v4 =	vand.u32 $0x7FFFFFFF, v2;
	v1 =	vand.u32 $0x7F, v1;
	v6 =	vadd.s32 s28, v6  }
0x36: {  	v4 =	vsub.f32 $0.0e+00, v4;
	v7 =	vand.u32 $0x7FFFFFFF, v3;
	v1 =	vor.u32 v1, v6  }
0x37: {  	v6 =	vsub.f32 $0.0e+00, v7  }
0x38: {  	v4 =	vmul.f32 $1.442695020e+00, v4  }
0x39: {  	v6 =	vmul.f32 $1.442695020e+00, v6  }
0x3a: {  	s29 =	simm.s32 $0x380;
	(erf) = vpow2.f32 v4;
	v4 =	vand.u32 $0xFFFFFF80, v5;
	v5 =	vand.u32 $0x7F, v5;
	v7 =	vpop (erf)  }
0x3b: {  	v4 =	vadd.s32 s29, v4;
	(erf) = vpow2.f32 v6;
	v8 =	vadd.f32 $2.000000000e+00, v7;
	v6 =	vld.idx.msk [tilespmem:v1+s14+$0x0], $0xffff  }
0x3c: {  	v4 =	vor.u32 v5, v4;
	v1 =	vld [tilespmem:s26+$0x0]  }
0x3d: {  	v5 =	vld [tilespmem:s26+$0xFFFFFFF0];
	(erf) = vrcp.f32 v8;
	_ =	sdelay $0x3  }
0x3e: {  	s30 =	simm.s32 $0x300;
	v4 =	vld.idx.msk [tilespmem:v4+s14+$0x0], $0xffff;
	v9 =	vand.u32 $0xFFFFFF80, v1  }
0x3f: {  	s31 =	simm.s32 $0x280;
	v1 =	vand.u32 $0x7F, v1;
	v11 =	vand.u32 $0xFFFFFF80, v5;
	v9 =	vadd.s32 s30, v9  }
0x40: {  	v5 =	vand.u32 $0x7F, v5;
	v11 =	vadd.s32 s31, v11;
	v1 =	vor.u32 v1, v9  }
0x41: {  	v10 =	vpop (erf);
	v5 =	vor.u32 v5, v11  }
0x42: {  	v8 =	vand.u32 $0x7FFFFFFF, v6;
	v9 =	vpop (erf)  }
0x43: {  	v14 =	vld [tilespmem:s26+$0xFFFFFFE0];
	v8 =	vsub.f32 $0.0e+00, v8;
	v12 =	vadd.f32 $2.000000000e+00, v9;
	v11 =	vand.u32 $0x7FFFFFFF, v4;
	v13 =	vpop (erf)  }
0x44: {  	v15 =	vadd.f32 $2.000000000e+00, v10;
	v13 =	vmul.f32 v13, v7;
	v7 =	vsub.f32 $0.0e+00, v11  }
0x45: {  	v8 =	vmul.f32 $1.442695020e+00, v8;
	(erf) = vrcp.f32 v12;
	v1 =	vld.idx.msk [tilespmem:v1+s14+$0x0], $0xffff  }
0x46: {  	v12 =	vld.idx.msk [tilespmem:v5+s14+$0x0], $0xffff;
	(erf) = vrcp.f32 v15;
	v7 =	vmul.f32 $1.442695020e+00, v7  }
0x47: {  	v11 =	vmul.f32 v13, v13;
	(erf) = vpow2.f32 v8  }
0x48: {  	s25 =	simm.s32 $0x200;
	v5 =	vand.u32 $0xFFFFFF80, v14;
	(erf) = vpow2.f32 v7  }
0x49: {  	v5 =	vadd.s32 s25, v5;
	v8 =	vand.u32 $0x7F, v14;
	v7 =	vmul.f32 $1.111111120e-01, v11  }
0x4a: {  	v5 =	vor.u32 v8, v5  }
0x4b: {  	v8 =	vand.u32 $0x7FFFFFFF, v1;
	v14 =	vand.u32 $0x7FFFFFFF, v12;
	v7 =	vadd.f32 $1.428571490e-01, v7  }
0x4c: {  	v8 =	vsub.f32 $0.0e+00, v8;
	v14 =	vsub.f32 $0.0e+00, v14  }
0x4d: {  	v7 =	vmul.f32 v7, v11  }
0x4e: {  	v8 =	vmul.f32 $1.442695020e+00, v8;
	v15 =	vpop (erf)  }
0x4f: {  	v17 =	vld.idx.msk [tilespmem:v5+s14+$0x0], $0xffff;
	v5 =	vmul.f32 $1.442695020e+00, v14;
	v7 =	vadd.f32 $2.000000030e-01, v7;
	v16 =	vpop (erf)  }
0x50: {  	(erf) = vpow2.f32 v8;
	v10 =	vmul.f32 v16, v10;
	v14 =	vpop (erf)  }
0x51: {  	v7 =	vmul.f32 v7, v11;
	v16 =	vpop (erf)  }
0x52: {  	v23 =	vmul.f32 v15, v9;
	v18 =	vmul.f32 v10, v10;
	v8 =	vadd.f32 $2.000000000e+00, v16  }
0x53: {  	s26 =	simm.s32 $0x2A0;
	(erf) = vpow2.f32 v5;
	v20 =	vadd.f32 $2.000000000e+00, v14;
	v19 =	vadd.f32 $3.333333430e-01, v7  }
0x54: {  	v21 =	vld [tilespmem:s26+$0x0];
	v7 =	vmax.f32 v3, $0.0e+00;
	v3 =	vmul.f32 $1.111111120e-01, v18;
	(erf) = vrcp.f32 v8  }
0x55: {  	v22 =	vand.u32 $0x7FFFFFFF, v17;
	v11 =	vmul.f32 v19, v11;
	v19 =	vld [tilespmem:s26+$0x10];
	v8 =	vmax.f32 v6, $0.0e+00  }
0x56: {  	(erf) = vrcp.f32 v20;
	v20 =	vsub.f32 $0.0e+00, v22;
	v6 =	vadd.f32 $1.428571490e-01, v3  }
0x57: {  	v9 =	vadd.f32 v13, v13;
	v13 =	vmax.f32 v0, $0.0e+00;
	v22 =	vld [tilespmem:s26+$0xFFFFFFE0];
	v11 =	vadd.f32 $1.000000000e+00, v11  }
0x58: {  	v3 =	vmax.f32 v12, $0.0e+00;
	v12 =	vld [tilespmem:s26+$0xFFFFFFF0];
	v0 =	vmul.f32 v6, v18;
	v20 =	vmul.f32 $1.442695020e+00, v20  }
0x59: {  	s28 =	simm.s32 $0x500;
	v24 =	vpop (erf);
	v6 =	vmul.f32 v11, v9;
	v9 =	vand.u32 $0xFFFFFF80, v21;
	v11 =	vand.u32 $0x7F, v21  }
0x5a: {  	s29 =	simm.s32 $0x580;
	v28 =	vadd.f32 $2.000000000e+00, v24;
	v9 =	vadd.s32 s28, v9;
	v15 =	vand.u32 $0xFFFFFF80, v19  }
0x5b: {  	s30 =	simm.s32 $0x2220;
	v19 =	vand.u32 $0x7F, v19;
	v9 =	vor.u32 v11, v9;
	v11 =	vadd.s32 s29, v15  }
0x5c: {  	v27 =	vld [tilespmem:s30+$0x10];
	v25 =	vpop (erf);
	v29 =	vadd.f32 $2.000000030e-01, v0;
	v15 =	vand.u32 $0xFFFFFF80, v22;
	v11 =	vor.u32 v19, v11  }
0x5d: {  	v21 =	vand.u32 $0xFFFFFF80, v12;
	v22 =	vand.u32 $0x7F, v22;
	v19 =	vadd.f32 $2.000000000e+00, v25;
	v26 =	vpop (erf)  }
0x5e: {  	s25 =	simm.s32 $0x400;
	v12 =	vand.u32 $0x7F, v12;
	v13 =	vadd.f32 v6, v13;
	v26 =	vmul.f32 v26, v16  }
0x5f: {  	v15 =	vadd.s32 s25, v15;
	(erf) = vrcp.f32 v19;
	v19 =	vmul.f32 v23, v23;
	v16 =	vpop (erf)  }
0x60: {  	s31 =	simm.s32 $0x480;
	v22 =	vor.u32 v22, v15;
	v30 =	vmul.f32 v16, v14;
	v15 =	vmul.f32 v26, v26  }
0x61: {  	v21 =	vadd.s32 s31, v21;
	(erf) = vrcp.f32 v28;
	v14 =	vmul.f32 v13, v27;
	v6 =	vld.idx.msk [tilespmem:v11+s14+$0x0], $0xffff  }
0x62: {  	v12 =	vor.u32 v12, v21;
	v11 =	vmul.f32 v30, v30;
	v16 =	vmul.f32 $1.111111120e-01, v15  }
0x63: {  	v13 =	vmul.f32 $1.111111120e-01, v19;
	v27 =	vmul.f32 v29, v18  }
0x64: {  	v0 =	vld.idx.msk [tilespmem:v9+s14+$0x0], $0xffff;
	v9 =	vmax.f32 v17, $0.0e+00;
	v21 =	vmul.f32 $1.111111120e-01, v11;
	v16 =	vadd.f32 $1.428571490e-01, v16  }
0x65: {  	v17 =	vmax.f32 v2, $0.0e+00;
	v13 =	vadd.f32 $1.428571490e-01, v13;
	v27 =	vadd.f32 $3.333333430e-01, v27  }
0x66: {  	v2 =	vld.idx.msk [tilespmem:v22+s14+$0x0], $0xffff;
	v28 =	vand.u32 $0x7FFFFFFF, v6;
	v21 =	vadd.f32 $1.428571490e-01, v21;
	v16 =	vmul.f32 v16, v15  }
0x67: {  	(erf) = vpow2.f32 v20;
	v29 =	vld.idx.msk [tilespmem:v12+s14+$0x0], $0xffff;
	v13 =	vmul.f32 v13, v19;
	v12 =	vsub.f32 $0.0e+00, v28  }
0x68: {  	v18 =	vmul.f32 v27, v18;
	v21 =	vmul.f32 v21, v11;
	v16 =	vadd.f32 $2.000000030e-01, v16  }
0x69: {  	v28 =	vadd.f32 v10, v10;
	v10 =	vmul.f32 $1.442695020e+00, v12;
	v12 =	vadd.f32 $2.000000030e-01, v13  }
0x6a: {  	v22 =	vand.u32 $0x7FFFFFFF, v0;
	v21 =	vadd.f32 $2.000000030e-01, v21;
	v20 =	vmul.f32 v16, v15  }
0x6b: {  	v13 =	vand.u32 $0x7FFFFFFF, v2;
	(erf) = vpow2.f32 v10;
	v10 =	vmul.f32 v12, v19  }
0x6c: {  	v31 =	vpop (erf);
	v16 =	vsub.f32 $0.0e+00, v13;
	v12 =	vand.u32 $0x7FFFFFFF, v29;
	v13 =	vmul.f32 v21, v11  }
0x6d: {  	v22 =	vsub.f32 $0.0e+00, v22;
	v32 =	vpop (erf);
	v33 =	vsub.f32 $0.0e+00, v12  }
0x6e: {  	v12 =	vmul.f32 v32, v24;
	v24 =	vadd.f32 $1.000000000e+00, v18;
	v13 =	vadd.f32 $3.333333430e-01, v13  }
0x6f: {  	v22 =	vmul.f32 $1.442695020e+00, v22;
	v21 =	vadd.f32 $3.333333430e-01, v20;
	v20 =	vadd.f32 $3.333333430e-01, v10  }
0x70: {  	v24 =	vmul.f32 v24, v28;
	v11 =	vmul.f32 v13, v11  }
0x71: {  	v63 =	vld [tilespmem:s30+$0x0];
	v23 =	vadd.f32 v23, v23;
	v13 =	vmul.f32 v20, v19;
	v20 =	vmul.f32 $1.442695020e+00, v33  }
0x72: {  	v5 =	vimm.f32 $0.0e+00;
	v18 =	vadd.f32 v26, v26;
	v17 =	vadd.f32 v24, v17  }
0x73: {  	(erf) = vpow2.f32 v22;
	v10 =	vmul.f32 v31, v25;
	v25 =	vadd.f32 $1.000000000e+00, v13  }
0x74: {  	v22 =	vld [tilespmem:s30+$0xFFFFFFF0];
	v28 =	vadd.f32 v30, v30;
	v19 =	vpop (erf);
	v26 =	vadd.f32 $1.000000000e+00, v11;
	v13 =	vmul.f32 v12, v12  }
0x75: {  	s24 =	simm.s32 $0x2260;
	v24 =	vld [tilespmem:s30+$0xFFFFFFE0];
	v11 =	vmax.f32 v29, $0.0e+00;
	(erf) = vpow2.f32 v20;
	v20 =	vpop (erf);
	v25 =	vmul.f32 v25, v23  }
0x76: {  	s23 =	simm.s32 $0x2260;
	s26 =	simm.s32 $0x2E0;
	s25 =	simm.s32 $0xC;
	v26 =	vmul.f32 v26, v28;
	v23 =	vmul.f32 v17, v63;
	v17 =	vmovc v10;
	v27 =	vadd.f32 $2.000000000e+00, v20  }
.LBB2_2:
0x77: {  	v28 =	vld [tilespmem:s26+$0x0];
	p0 =	sne.s32 s25, $0x7C;
	v29 =	vadd.f32 $2.000000000e+00, v19;
	v30 =	vmul.f32 $1.111111120e-01, v13;
	v15 =	vmul.f32 v21, v15;
	s28 =	smov.u32 s25;
	s25 =	sadd.s32 $0x4, s25  }
0x78: {  	v25 =	vadd.f32 v25, v7;
	v7 =	vmovc v3;
	v21 =	vld [tilespmem:s26+$0x10];
	(erf) = vrcp.f32 v27;
	v26 =	vadd.f32 v26, v8;
	v8 =	vmovc v9  }
0x79: {  	v3 =	vmovc v11;
	v9 =	vld [tilespmem:s26+$0xFFFFFFF0];
	v27 =	vadd.f32 $1.428571490e-01, v30;
	v15 =	vadd.f32 $1.000000000e+00, v15;
	(erf) = vrcp.f32 v29  }
0x7a: {  	v29 =	vmax.f32 v4, $0.0e+00;
	v22 =	vmul.f32 v25, v22;
	v4 =	vmovc v6;
	v11 =	vld [tilespmem:s26+$0xFFFFFFE0];
	v24 =	vmul.f32 v26, v24  }
0x7b: {  	s28 =	sshll.u32 s28, $0x7;
	v14 =	vadd.f32 v14, v23;
	v6 =	vmul.f32 v27, v13;
	v18 =	vmul.f32 v15, v18  }
0x7c: {  	s29 =	sadd.s32 $0x100, s28;
	v15 =	vand.u32 $0xFFFFFF80, v28;
	v23 =	vand.u32 $0x7F, v28;
	v25 =	vpop (erf);
	v22 =	vadd.f32 v22, v24  }
0x7d: {  	v15 =	vadd.s32 s29, v15;
	v26 =	vand.u32 $0xFFFFFF80, v21;
	v21 =	vand.u32 $0x7F, v21;
	s29 =	sadd.s32 $0x180, s28  }
0x7e: {  	v15 =	vor.u32 v23, v15;
	v23 =	vadd.s32 s29, v26;
	v24 =	vpop (erf);
	v14 =	vadd.f32 v14, v22  }
0x7f: {  	s29 =	sadd.s32 $0x80, s28;
	v22 =	vand.u32 $0xFFFFFF80, v11;
	v21 =	vor.u32 v21, v23;
	v23 =	vadd.f32 $2.000000000e+00, v24  }
0x80: {  	v27 =	vand.u32 $0xFFFFFF80, v9;
	v22 =	vadd.s32 s28, v22;
	v5 =	vadd.f32 v14, v5  }
0x81: {  	v9 =	vand.u32 $0x7F, v9;
	v11 =	vand.u32 $0x7F, v11;
	v14 =	vadd.s32 s29, v27;
	v26 =	vpop (erf);
	v27 =	vld [tilespmem:s23+$0x10]  }
0x82: {  	v28 =	vadd.f32 $2.000000000e+00, v25;
	v20 =	vmul.f32 v26, v20;
	v26 =	vadd.f32 $2.000000030e-01, v6;
	v6 =	vpop (erf)  }
0x83: {  	v11 =	vor.u32 v11, v22;
	v22 =	vor.u32 v9, v14;
	v30 =	vld.idx.msk [tilespmem:v15+s14+$0x0], $0xffff;
	v31 =	vmul.f32 v6, v19  }
0x84: {  	v14 =	vadd.f32 v18, v29;
	v6 =	vld.idx.msk [tilespmem:v21+s14+$0x0], $0xffff;
	v15 =	vmul.f32 v20, v20;
	(erf) = vrcp.f32 v23  }
0x85: {  	v9 =	vmax.f32 v2, $0.0e+00;
	v23 =	vmul.f32 v17, v10;
	v19 =	vmul.f32 v31, v31  }
0x86: {  	v17 =	vmul.f32 $1.111111120e-01, v15;
	v14 =	vmul.f32 v14, v27  }
0x87: {  	v18 =	vmul.f32 $1.111111120e-01, v23;
	v27 =	vmax.f32 v1, $0.0e+00;
	v1 =	vmovc v0;
	(erf) = vrcp.f32 v28  }
0x88: {  	v21 =	vmul.f32 v26, v13;
	v2 =	vld.idx.msk [tilespmem:v11+s14+$0x0], $0xffff;
	v11 =	vadd.f32 $1.428571490e-01, v17;
	v17 =	vmul.f32 $1.111111120e-01, v19  }
0x89: {  	v16 =	vmul.f32 $1.442695020e+00, v16;
	v26 =	vand.u32 $0x7FFFFFFF, v30;
	v18 =	vadd.f32 $1.428571490e-01, v18;
	v0 =	vmovc v30  }
0x8a: {  	v28 =	vld.idx.msk [tilespmem:v22+s14+$0x0], $0xffff;
	v22 =	vand.u32 $0x7FFFFFFF, v6;
	v11 =	vmul.f32 v11, v15;
	v17 =	vadd.f32 $1.428571490e-01, v17  }
0x8b: {  	v29 =	vadd.f32 $3.333333430e-01, v21;
	v18 =	vmul.f32 v18, v23;
	v32 =	vsub.f32 $0.0e+00, v22  }
0x8c: {  	v30 =	vadd.f32 v12, v12;
	v11 =	vadd.f32 $2.000000030e-01, v11;
	v17 =	vmul.f32 v17, v19  }
0x8d: {  	v12 =	vmul.f32 $1.442695020e+00, v32;
	(erf) = vpow2.f32 v16;
	v22 =	vpop (erf);
	v16 =	vadd.f32 $2.000000030e-01, v18  }
0x8e: {  	v21 =	vand.u32 $0x7FFFFFFF, v2;
	v11 =	vmul.f32 v11, v15;
	v17 =	vadd.f32 $2.000000030e-01, v17  }
0x8f: {  	v26 =	vsub.f32 $0.0e+00, v26;
	(erf) = vpow2.f32 v12;
	v32 =	vmul.f32 v16, v23;
	v33 =	vld [tilespmem:s23+$0x0]  }
0x90: {  	v16 =	vsub.f32 $0.0e+00, v21;
	v12 =	vand.u32 $0x7FFFFFFF, v28;
	v18 =	vpop (erf);
	v17 =	vmul.f32 v17, v19  }
0x91: {  	v34 =	vsub.f32 $0.0e+00, v12;
	v21 =	vadd.f32 $3.333333430e-01, v11;
	v11 =	vmul.f32 v29, v13  }
0x92: {  	v12 =	vmul.f32 v18, v25;
	v25 =	vadd.f32 $3.333333430e-01, v32;
	v13 =	vadd.f32 $3.333333430e-01, v17  }
0x93: {  	v26 =	vmul.f32 $1.442695020e+00, v26;
	v17 =	vmul.f32 v22, v24;
	v11 =	vadd.f32 $1.000000000e+00, v11  }
0x94: {  	s23 =	sadd.s32 $0x40, s23;
	v18 =	vadd.f32 v20, v20;
	v20 =	vmul.f32 v25, v23;
	v13 =	vmul.f32 v13, v19  }
.Ltmp0:
0x95: {  	v23 =	vmul.f32 $1.442695020e+00, v34;
	v25 =	vadd.f32 v10, v10;
	v11 =	vmul.f32 v11, v30;
	v10 =	vmovc v17;
	(pc) =	sbr.rel @p0 .LBB2_2-.Ltmp0, $4  }
0x96: {  	v29 =	vadd.f32 $1.000000000e+00, v20;
	(erf) = vpow2.f32 v26;
	v19 =	vpop (erf);
	v26 =	vadd.f32 $1.000000000e+00, v13  }
0x97: {  	v30 =	vadd.f32 v31, v31;
	v13 =	vmul.f32 v12, v12;
	v31 =	vadd.f32 v11, v27;
	v22 =	vld [tilespmem:s24+$0xFFFFFFF0]  }
0x98: {  	v11 =	vmax.f32 v28, $0.0e+00;
	v25 =	vmul.f32 v29, v25;
	(erf) = vpow2.f32 v23;
	v20 =	vpop (erf);
	v24 =	vld [tilespmem:s24+$0xFFFFFFE0];
	s24 =	smov.u32 s23  }
0x99: {  	s26 =	sadd.s32 $0x40, s26;
	v26 =	vmul.f32 v26, v30;
	v23 =	vmul.f32 v31, v33;
	v27 =	vadd.f32 $2.000000000e+00, v20  }
0x9a: {  	_ =	sdelay $0x5  }
0x9b: {  	v28 =	vpop (erf)  }
0x9c: {  	v29 =	vadd.f32 $2.000000000e+00, v19;
	v30 =	vpop (erf)  }
0x9d: {  	(erf) = vrcp.f32 v27;
	v27 =	vadd.f32 $2.000000000e+00, v30  }
0x9e: {  	(erf) = vrcp.f32 v29;
	v29 =	vadd.f32 $2.000000000e+00, v28  }
0x9f: {  	v16 =	vmul.f32 $1.442695020e+00, v16;
	(erf) = vrcp.f32 v27  }
0xa0: {  	(erf) = vrcp.f32 v29  }
0xa1: {  	(erf) = vpow2.f32 v16;
	_ =	sdelay $0x4  }
0xa2: {  	v27 =	vpop (erf)  }
0xa3: {  	v29 =	vpop (erf)  }
0xa4: {  	v31 =	vpop (erf)  }
0xa5: {  	v32 =	vpop (erf)  }
0xa6: {  	v33 =	vpop (erf)  }
0xa7: {  	v16 =	vadd.f32 $2.000000000e+00, v33;
	_ =	sdelay $0x1  }
0xa8: {  	(erf) = vrcp.f32 v16  }
0xa9: {  	v38 =	vmul.f32 $1.111111120e-01, v13  }
0xaa: {  	v34 =	vld [tilespmem:s23+$0x10];
	v15 =	vmul.f32 v21, v15;
	v21 =	vadd.f32 v25, v7;
	v26 =	vadd.f32 v26, v8  }
0xab: {  	v35 =	vld [tilespmem:s23+$0x0];
	v17 =	vmul.f32 v17, v10;
	v25 =	vadd.f32 $1.428571490e-01, v38;
	v19 =	vmul.f32 v29, v19  }
0xac: {  	v36 =	vld [tilespmem:s24+$0xFFFFFFF0];
	v4 =	vmax.f32 v4, $0.0e+00;
	v21 =	vmul.f32 v21, v22;
	v24 =	vmul.f32 v26, v24  }
0xad: {  	s28 =	sadd.s32 $0x40, s23;
	v37 =	vld [tilespmem:s24+$0xFFFFFFE0];
	v26 =	vadd.f32 $1.000000000e+00, v15;
	v25 =	vmul.f32 v25, v13;
	v22 =	vmul.f32 v19, v19  }
0xae: {  	v8 =	vld [tilespmem:s28+$0x0];
	v14 =	vadd.f32 v14, v23;
	v20 =	vmul.f32 v27, v20;
	v27 =	vmul.f32 $1.111111120e-01, v17  }
0xaf: {  	v7 =	vld [tilespmem:s28+$0xFFFFFFF0];
	v18 =	vmul.f32 v26, v18;
	v25 =	vadd.f32 $2.000000030e-01, v25;
	v23 =	vmul.f32 $1.111111120e-01, v22  }
0xb0: {  	v15 =	vld [tilespmem:s28+$0xFFFFFFE0];
	v21 =	vadd.f32 v21, v24;
	v24 =	vmul.f32 v20, v20;
	v27 =	vadd.f32 $1.428571490e-01, v27  }
0xb1: {  	v4 =	vadd.f32 v18, v4;
	v18 =	vmul.f32 v25, v13;
	v23 =	vadd.f32 $1.428571490e-01, v23;
	v16 =	vld [tilespmem:s28+$0x10];
	[tilespmem:s14], [sflag:$0x1] =	stream.indirect.gather [hbm4b:s3+s10], $0x80, s18, s10, $0xb8;
	v29 =	vpop (erf)  }
0xb2: {  	v14 =	vadd.f32 v14, v21;
	v21 =	vmul.f32 $1.111111120e-01, v24;
	v26 =	vmul.f32 v27, v17;
	_ =	swait.ge [sflag:s19], $0x4000  }
0xb3: {  	v18 =	vadd.f32 $3.333333430e-01, v18;
	v23 =	vmul.f32 v23, v22;
	[sflag:s19] =	ssyncset.done $0x0  }
0xb4: {  	s29 =	simm.s32 $0xA30;
	v21 =	vadd.f32 $1.428571490e-01, v21;
	v25 =	vadd.f32 $2.000000030e-01, v26;
	[sflag:s19] =	ssyncadd.s32 $0xFFFFC000  }
0xb5: {  	v13 =	vmul.f32 v18, v13;
	v26 =	vmul.f32 v4, v34;
	v23 =	vadd.f32 $2.000000030e-01, v23;
	v27 =	vld [tilespmem:s29+$0x0]  }
0xb6: {  	v4 =	vadd.f32 v14, v5;
	v5 =	vmul.f32 v21, v24;
	v14 =	vmul.f32 v25, v17  }
0xb7: {  	v12 =	vadd.f32 v12, v12;
	v13 =	vadd.f32 $1.000000000e+00, v13;
	v21 =	vmul.f32 v23, v22  }
0xb8: {  	v5 =	vadd.f32 $2.000000030e-01, v5;
	v14 =	vadd.f32 $3.333333430e-01, v14  }
0xb9: {  	v19 =	vadd.f32 v19, v19;
	v21 =	vadd.f32 $3.333333430e-01, v21  }
0xba: {  	s30 =	simm.s32 $0x180;
	v5 =	vmul.f32 v5, v24;
	v14 =	vmul.f32 v14, v17;
	v18 =	vand.u32 $0xFFFFFF80, v27  }
0xbb: {  	v21 =	vmul.f32 v21, v22;
	v23 =	vand.u32 $0x7F, v27;
	v18 =	vadd.s32 s30, v18  }
0xbc: {  	v5 =	vadd.f32 $3.333333430e-01, v5;
	v14 =	vadd.f32 $1.000000000e+00, v14;
	v17 =	vld [tilespmem:s29+$0xFFFFFFF0];
	v18 =	vor.u32 v23, v18  }
0xbd: {  	v22 =	vadd.f32 v10, v10;
	v10 =	vmul.f32 v13, v12;
	v13 =	vadd.f32 $1.000000000e+00, v21  }
0xbe: {  	v5 =	vmul.f32 v5, v24  }
0xbf: {  	v1 =	vmax.f32 v1, $0.0e+00;
	v14 =	vmul.f32 v14, v22;
	v21 =	vld [tilespmem:s29+$0xFFFFFFE0];
	v13 =	vmul.f32 v13, v19  }
0xc0: {  	v12 =	vmul.f32 v32, v28;
	v25 =	vmul.f32 v29, v33;
	v1 =	vadd.f32 v10, v1  }
0xc1: {  	s31 =	simm.s32 $0x100;
	v14 =	vadd.f32 v14, v3;
	v9 =	vadd.f32 v13, v9;
	v19 =	vand.u32 $0xFFFFFF80, v17;
	v10 =	vld.idx.msk [tilespmem:v18+s16+$0x0], $0xffff  }
0xc2: {  	v17 =	vand.u32 $0x7F, v17;
	v19 =	vadd.s32 s31, v19;
	v23 =	vmul.f32 v31, v30  }
0xc3: {  	v17 =	vor.u32 v17, v19;
	v18 =	vadd.f32 v20, v20;
	v20 =	vmul.f32 v12, v12  }
0xc4: {  	s25 =	simm.s32 $0x80;
	v13 =	vmul.f32 v25, v25;
	v19 =	vand.u32 $0xFFFFFF80, v21;
	v21 =	vand.u32 $0x7F, v21  }
0xc5: {  	v19 =	vadd.s32 s25, v19;
	v28 =	vmul.f32 v23, v23;
	v22 =	vmul.f32 $1.111111120e-01, v20  }
0xc6: {  	v14 =	vmul.f32 v14, v36;
	v19 =	vor.u32 v21, v19;
	v27 =	vand.u32 $0x7FFFFFFF, v10  }
0xc7: {  	v24 =	vmul.f32 $1.111111120e-01, v28;
	v22 =	vadd.f32 $1.428571490e-01, v22;
	v21 =	vsub.f32 $0.0e+00, v27  }
0xc8: {  	v5 =	vadd.f32 $1.000000000e+00, v5;
	v9 =	vmul.f32 v9, v37;
	v3 =	vld.idx.msk [tilespmem:v17+s16+$0x0], $0xffff;
	v27 =	vmul.f32 $1.111111120e-01, v13  }
0xc9: {  	v17 =	vmul.f32 v22, v20;
	v22 =	vadd.f32 $1.428571490e-01, v24;
	v24 =	vld [tilespmem:s29+$0xFFFFFFD0];
	v21 =	vmul.f32 $1.442695020e+00, v21  }
0xca: {  	v1 =	vmul.f32 v1, v35;
	v9 =	vadd.f32 v14, v9;
	v12 =	vadd.f32 v12, v12  }
0xcb: {  	v5 =	vmul.f32 v5, v18;
	v27 =	vadd.f32 $1.428571490e-01, v27;
	(erf) = vpow2.f32 v21  }
0xcc: {  	v18 =	vadd.f32 v26, v1;
	v17 =	vadd.f32 $2.000000030e-01, v17;
	v21 =	vmax.f32 v6, $0.0e+00;
	v6 =	vld.idx.msk [tilespmem:v19+s16+$0x0], $0xffff  }
0xcd: {  	s26 =	simm.s32 $0xA70;
	v19 =	vmul.f32 v22, v28;
	v1 =	vmul.f32 v27, v13;
	v22 =	vand.u32 $0x7FFFFFFF, v3  }
0xce: {  	v26 =	vld [tilespmem:s26+$0x0];
	v17 =	vmul.f32 v17, v20;
	v27 =	vand.u32 $0xFFFFFF80, v24;
	v22 =	vsub.f32 $0.0e+00, v22  }
0xcf: {  	s28 =	simm.s32 $0x0;
	v24 =	vand.u32 $0x7F, v24;
	v5 =	vadd.f32 v5, v21;
	v19 =	vadd.f32 $2.000000030e-01, v19  }
0xd0: {  	v1 =	vadd.f32 $2.000000030e-01, v1;
	v27 =	vadd.s32 s28, v27;
	v22 =	vmul.f32 $1.442695020e+00, v22  }
0xd1: {  	v17 =	vadd.f32 $3.333333430e-01, v17;
	v24 =	vor.u32 v24, v27;
	v29 =	vand.u32 $0x7FFFFFFF, v6  }
0xd2: {  	v19 =	vmul.f32 v19, v28;
	v1 =	vmul.f32 v1, v13;
	v27 =	vsub.f32 $0.0e+00, v29  }
0xd3: {  	v17 =	vmul.f32 v17, v20;
	(erf) = vpow2.f32 v22;
	v29 =	vand.u32 $0xFFFFFF80, v26  }
0xd4: {  	v19 =	vadd.f32 $3.333333430e-01, v19;
	v1 =	vadd.f32 $3.333333430e-01, v1;
	v27 =	vmul.f32 $1.442695020e+00, v27;
	v22 =	vpop (erf)  }
0xd5: {  	s29 =	simm.s32 $0x380;
	v26 =	vand.u32 $0x7F, v26;
	v17 =	vadd.f32 $1.000000000e+00, v17;
	v60 =	vadd.f32 $2.000000000e+00, v22  }
0xd6: {  	v29 =	vadd.s32 s29, v29;
	v20 =	vld.idx.msk [tilespmem:v24+s16+$0x0], $0xffff;
	v14 =	vmul.f32 v19, v28;
	(erf) = vpow2.f32 v27  }
0xd7: {  	v26 =	vor.u32 v26, v29;
	v19 =	vld [tilespmem:s26+$0xFFFFFFF0];
	v1 =	vmul.f32 v1, v13;
	(erf) = vrcp.f32 v60  }
0xd8: {  	v0 =	vmax.f32 v0, $0.0e+00;
	v5 =	vmul.f32 v5, v16;
	v13 =	vld [tilespmem:s26+$0xFFFFFFE0]  }
0xd9: {  	v16 =	vadd.f32 v25, v25;
	v12 =	vmul.f32 v17, v12;
	v1 =	vadd.f32 $1.000000000e+00, v1  }
0xda: {  	v23 =	vadd.f32 v23, v23;
	v21 =	vmax.f32 v2, $0.0e+00;
	v14 =	vadd.f32 $1.000000000e+00, v14  }
0xdb: {  	v0 =	vadd.f32 v12, v0;
	v1 =	vmul.f32 v1, v16;
	v17 =	vand.u32 $0x7FFFFFFF, v20  }
0xdc: {  	s30 =	simm.s32 $0x300;
	v2 =	vld.idx.msk [tilespmem:v26+s16+$0x0], $0xffff;
	v16 =	vsub.f32 $0.0e+00, v17;
	v17 =	vand.u32 $0xFFFFFF80, v19;
	v19 =	vand.u32 $0x7F, v19  }
0xdd: {  	s31 =	simm.s32 $0x280;
	v14 =	vmul.f32 v14, v23;
	v24 =	vand.u32 $0xFFFFFF80, v13;
	v17 =	vadd.s32 s30, v17  }
0xde: {  	v13 =	vand.u32 $0x7F, v13;
	v23 =	vpop (erf);
	v24 =	vadd.s32 s31, v24;
	v17 =	vor.u32 v19, v17  }
0xdf: {  	v27 =	vld [tilespmem:s26+$0xFFFFFFD0];
	v13 =	vor.u32 v13, v24;
	v19 =	vpop (erf)  }
0xe0: {  	v0 =	vmul.f32 v0, v8;
	v8 =	vadd.f32 v14, v11;
	v25 =	vadd.f32 $2.000000000e+00, v19;
	v26 =	vpop (erf)  }
0xe1: {  	v28 =	vadd.f32 $2.000000000e+00, v23;
	v24 =	vand.u32 $0x7FFFFFFF, v2;
	v22 =	vmul.f32 v26, v22  }
0xe2: {  	v16 =	vmul.f32 $1.442695020e+00, v16;
	v24 =	vsub.f32 $0.0e+00, v24;
	(erf) = vrcp.f32 v25  }
0xe3: {  	v21 =	vadd.f32 v1, v21;
	v1 =	vld.idx.msk [tilespmem:v17+s16+$0x0], $0xffff;
	(erf) = vrcp.f32 v28;
	v17 =	vmul.f32 v22, v22  }
0xe4: {  	s25 =	simm.s32 $0x200;
	v7 =	vmul.f32 v8, v7;
	v11 =	vld.idx.msk [tilespmem:v13+s16+$0x0], $0xffff;
	v13 =	vand.u32 $0xFFFFFF80, v27;
	v12 =	vmul.f32 $1.442695020e+00, v24  }
0xe5: {  	v8 =	vadd.s32 s25, v13;
	(erf) = vpow2.f32 v16;
	v14 =	vmul.f32 $1.111111120e-01, v17  }
0xe6: {  	v13 =	vand.u32 $0x7F, v27;
	(erf) = vpow2.f32 v12;
	v12 =	vmul.f32 v21, v15  }
0xe7: {  	v9 =	vadd.f32 v18, v9;
	v8 =	vor.u32 v13, v8;
	v13 =	vadd.f32 $1.428571490e-01, v14  }
0xe8: {  	v0 =	vadd.f32 v5, v0;
	v5 =	vadd.f32 v7, v12  }
0xe9: {  	s26 =	simm.s32 $0xAB0;
	v12 =	vmul.f32 v13, v17;
	v13 =	vand.u32 $0x7FFFFFFF, v11  }
0xea: {  	v4 =	vadd.f32 v9, v4;
	v21 =	vld [tilespmem:s26+$0xFFFFFFD0];
	v7 =	vand.u32 $0x7FFFFFFF, v1;
	v13 =	vsub.f32 $0.0e+00, v13  }
0xeb: {  	v7 =	vsub.f32 $0.0e+00, v7;
	v9 =	vpop (erf);
	v12 =	vadd.f32 $2.000000030e-01, v12  }
0xec: {  	v0 =	vadd.f32 v0, v5;
	v5 =	vpop (erf)  }
0xed: {  	v7 =	vmul.f32 $1.442695020e+00, v7;
	v16 =	vmul.f32 v5, v23  }
0xee: {  	v14 =	vld.idx.msk [tilespmem:v8+s16+$0x0], $0xffff;
	v8 =	vmul.f32 $1.442695020e+00, v13;
	v5 =	vadd.f32 v0, v4;
	v0 =	vmul.f32 v12, v17;
	v13 =	vpop (erf)  }
0xef: {  	v10 =	vmax.f32 v10, $0.0e+00;
	v24 =	vand.u32 $0xFFFFFF80, v21;
	(erf) = vpow2.f32 v7;
	v12 =	vpop (erf)  }
0xf0: {  	v7 =	vmax.f32 v6, $0.0e+00;
	v0 =	vadd.f32 $3.333333430e-01, v0;
	v4 =	vadd.f32 $2.000000000e+00, v12  }
0xf1: {  	v6 =	vld [tilespmem:s26+$0xFFFFFFF0];
	v18 =	vmul.f32 v16, v16;
	(erf) = vpow2.f32 v8;
	v8 =	vadd.f32 $2.000000000e+00, v13  }
0xf2: {  	s25 =	simm.s32 $0x400;
	v21 =	vand.u32 $0x7F, v21;
	v0 =	vmul.f32 v0, v17;
	v17 =	vld [tilespmem:s26+$0x0];
	(erf) = vrcp.f32 v4  }
0xf3: {  	v24 =	vadd.s32 s25, v24;
	v15 =	vmul.f32 $1.111111120e-01, v18;
	(erf) = vrcp.f32 v8  }
0xf4: {  	v19 =	vmul.f32 v9, v19;
	v9 =	vadd.f32 v22, v22;
	v21 =	vor.u32 v21, v24  }
0xf5: {  	v4 =	vand.u32 $0x7FFFFFFF, v14;
	v15 =	vadd.f32 $1.428571490e-01, v15;
	v0 =	vadd.f32 $1.000000000e+00, v0  }
0xf6: {  	v8 =	vmax.f32 v20, $0.0e+00;
	v20 =	vsub.f32 $0.0e+00, v4;
	v4 =	vmax.f32 v11, $0.0e+00  }
0xf7: {  	s28 =	simm.s32 $0x500;
	v9 =	vmul.f32 v0, v9;
	v0 =	vand.u32 $0xFFFFFF80, v6;
	v23 =	vand.u32 $0xFFFFFF80, v17  }
0xf8: {  	s29 =	simm.s32 $0x580;
	v11 =	vld [tilespmem:s26+$0xFFFFFFE0];
	v15 =	vmul.f32 v15, v18;
	v6 =	vand.u32 $0x7F, v6;
	v0 =	vadd.s32 s28, v0  }
0xf9: {  	s30 =	simm.s32 $0x2A30;
	v22 =	vpop (erf);
	v17 =	vand.u32 $0x7F, v17;
	v0 =	vor.u32 v6, v0;
	v6 =	vadd.s32 s29, v23  }
0xfa: {  	v27 =	vld [tilespmem:s30+$0x0];
	v61 =	vadd.f32 v16, v16;
	v28 =	vadd.f32 $2.000000000e+00, v22;
	v6 =	vor.u32 v17, v6;
	v23 =	vpop (erf)  }
0xfb: {  	v20 =	vmul.f32 $1.442695020e+00, v20;
	v29 =	vadd.f32 $2.000000030e-01, v15;
	v17 =	vadd.f32 $2.000000000e+00, v23;
	v26 =	vpop (erf)  }
0xfc: {  	v10 =	vadd.f32 v9, v10;
	v9 =	vmax.f32 v14, $0.0e+00;
	v26 =	vmul.f32 v26, v12;
	v12 =	vpop (erf)  }
0xfd: {  	v25 =	vand.u32 $0xFFFFFF80, v11;
	(erf) = vrcp.f32 v17;
	v24 =	vmul.f32 v12, v13  }
0xfe: {  	s31 =	simm.s32 $0x480;
	v11 =	vand.u32 $0x7F, v11;
	v17 =	vmul.f32 v19, v19;
	v15 =	vmul.f32 v26, v26  }
0xff: {  	v25 =	vadd.s32 s31, v25;
	v14 =	vmul.f32 v10, v27;
	v6 =	vld.idx.msk [tilespmem:v6+s16+$0x0], $0xffff;
	v13 =	vmul.f32 v24, v24  }
0x100: {  	v11 =	vor.u32 v11, v25;
	v10 =	vmul.f32 $1.111111120e-01, v17;
	v12 =	vmul.f32 $1.111111120e-01, v15  }
0x101: {  	v25 =	vmax.f32 v3, $0.0e+00;
	v3 =	vld.idx.msk [tilespmem:v21+s16+$0x0], $0xffff;
	(erf) = vrcp.f32 v28;
	v27 =	vmul.f32 $1.111111120e-01, v13  }
0x102: {  	v10 =	vadd.f32 $1.428571490e-01, v10;
	v12 =	vadd.f32 $1.428571490e-01, v12  }
0x103: {  	v0 =	vld.idx.msk [tilespmem:v0+s16+$0x0], $0xffff;
	v28 =	vmul.f32 v29, v18;
	(erf) = vpow2.f32 v20;
	v27 =	vadd.f32 $1.428571490e-01, v27  }
0x104: {  	v29 =	vand.u32 $0x7FFFFFFF, v6;
	v10 =	vmul.f32 v10, v17;
	v12 =	vmul.f32 v12, v15  }
0x105: {  	v11 =	vld.idx.msk [tilespmem:v11+s16+$0x0], $0xffff;
	v28 =	vadd.f32 $3.333333430e-01, v28;
	v29 =	vsub.f32 $0.0e+00, v29;
	v27 =	vmul.f32 v27, v13  }
0x106: {  	v20 =	vand.u32 $0x7FFFFFFF, v3;
	v10 =	vadd.f32 $2.000000030e-01, v10;
	v12 =	vadd.f32 $2.000000030e-01, v12  }
0x107: {  	v18 =	vmul.f32 v28, v18;
	v16 =	vmul.f32 $1.442695020e+00, v29;
	v27 =	vadd.f32 $2.000000030e-01, v27  }
0x108: {  	v21 =	vand.u32 $0x7FFFFFFF, v0;
	v10 =	vmul.f32 v10, v17;
	v12 =	vmul.f32 v12, v15  }
0x109: {  	v29 =	vsub.f32 $0.0e+00, v21;
	v62 =	vpop (erf);
	(erf) = vpow2.f32 v16;
	v27 =	vmul.f32 v27, v13  }
0x10a: {  	v63 =	vpop (erf);
	v16 =	vsub.f32 $0.0e+00, v20;
	v20 =	vand.u32 $0x7FFFFFFF, v11;
	v21 =	vadd.f32 $3.333333430e-01, v12  }
0x10b: {  	v12 =	vmul.f32 v63, v22;
	v22 =	vadd.f32 $3.333333430e-01, v27;
	v27 =	vadd.f32 $3.333333430e-01, v10  }
0x10c: {  	v28 =	vmul.f32 $1.442695020e+00, v29;
	v20 =	vsub.f32 $0.0e+00, v20  }
0x10d: {  	v10 =	vmul.f32 v62, v23;
	v23 =	vadd.f32 $1.000000000e+00, v18;
	v17 =	vmul.f32 v27, v17  }
0x10e: {  	v29 =	vld [tilespmem:s30+$0xFFFFFFF0];
	(erf) = vpow2.f32 v28;
	v28 =	vadd.f32 v24, v24;
	v20 =	vmul.f32 $1.442695020e+00, v20  }
0x10f: {  	v13 =	vmul.f32 v22, v13;
	v22 =	vmul.f32 v23, v61;
	v17 =	vadd.f32 $1.000000000e+00, v17  }
0x110: {  	v18 =	vadd.f32 v26, v26;
	v26 =	vadd.f32 v19, v19  }
0x111: {  	v24 =	vld [tilespmem:s30+$0xFFFFFFD0];
	v19 =	vpop (erf);
	(erf) = vpow2.f32 v20;
	v23 =	vadd.f32 $1.000000000e+00, v13;
	v30 =	vadd.f32 v22, v25  }
0x112: {  	s23 =	simm.s32 $0x2A70;
	v11 =	vmax.f32 v11, $0.0e+00;
	v13 =	vmul.f32 v12, v12;
	v22 =	vld [tilespmem:s30+$0xFFFFFFE0];
	v20 =	vpop (erf);
	v25 =	vmul.f32 v17, v26  }
0x113: {  	s24 =	simm.s32 $0x2A70;
	s25 =	simm.s32 $0xC;
	s26 =	simm.s32 $0xAF0;
	v27 =	vadd.f32 $2.000000000e+00, v20;
	v26 =	vmul.f32 v23, v28;
	v23 =	vmul.f32 v30, v29;
	v17 =	vmovc v10  }
.LBB2_4:
0x114: {  	v28 =	vld [tilespmem:s26+$0xFFFFFFF0];
	p0 =	sne.s32 s25, $0x7C;
	v29 =	vadd.f32 $2.000000000e+00, v19;
	v30 =	vmul.f32 $1.111111120e-01, v13;
	v15 =	vmul.f32 v21, v15;
	s28 =	smov.u32 s25;
	s25 =	sadd.s32 $0x4, s25  }
0x115: {  	v25 =	vadd.f32 v25, v7;
	v7 =	vmovc v4;
	v21 =	vld [tilespmem:s26+$0x0];
	(erf) = vrcp.f32 v27;
	v26 =	vadd.f32 v26, v8;
	v8 =	vmovc v9  }
0x116: {  	v4 =	vmovc v11;
	v9 =	vld [tilespmem:s26+$0xFFFFFFE0];
	v27 =	vadd.f32 $1.428571490e-01, v30;
	v15 =	vadd.f32 $1.000000000e+00, v15;
	(erf) = vrcp.f32 v29  }
0x117: {  	v29 =	vmax.f32 v2, $0.0e+00;
	v22 =	vmul.f32 v25, v22;
	v2 =	vmovc v6;
	v11 =	vld [tilespmem:s26+$0xFFFFFFD0];
	v24 =	vmul.f32 v26, v24  }
0x118: {  	s28 =	sshll.u32 s28, $0x7;
	v14 =	vadd.f32 v14, v23;
	v6 =	vmul.f32 v27, v13;
	v18 =	vmul.f32 v15, v18  }
0x119: {  	s29 =	sadd.s32 $0x100, s28;
	v15 =	vand.u32 $0xFFFFFF80, v28;
	v23 =	vand.u32 $0x7F, v28;
	v25 =	vpop (erf);
	v22 =	vadd.f32 v22, v24  }
0x11a: {  	v15 =	vadd.s32 s29, v15;
	v26 =	vand.u32 $0xFFFFFF80, v21;
	v21 =	vand.u32 $0x7F, v21;
	s29 =	sadd.s32 $0x180, s28  }
0x11b: {  	v15 =	vor.u32 v23, v15;
	v23 =	vadd.s32 s29, v26;
	v24 =	vpop (erf);
	v14 =	vadd.f32 v14, v22  }
0x11c: {  	s29 =	sadd.s32 $0x80, s28;
	v22 =	vand.u32 $0xFFFFFF80, v11;
	v21 =	vor.u32 v21, v23;
	v23 =	vadd.f32 $2.000000000e+00, v24  }
0x11d: {  	v27 =	vand.u32 $0xFFFFFF80, v9;
	v22 =	vadd.s32 s28, v22;
	v5 =	vadd.f32 v14, v5  }
0x11e: {  	v9 =	vand.u32 $0x7F, v9;
	v11 =	vand.u32 $0x7F, v11;
	v14 =	vadd.s32 s29, v27;
	v26 =	vpop (erf);
	v27 =	vld [tilespmem:s23+$0x0]  }
0x11f: {  	v28 =	vadd.f32 $2.000000000e+00, v25;
	v20 =	vmul.f32 v26, v20;
	v26 =	vadd.f32 $2.000000030e-01, v6;
	v6 =	vpop (erf)  }
0x120: {  	v11 =	vor.u32 v11, v22;
	v22 =	vor.u32 v9, v14;
	v30 =	vld.idx.msk [tilespmem:v15+s16+$0x0], $0xffff;
	v31 =	vmul.f32 v6, v19  }
0x121: {  	v14 =	vadd.f32 v18, v29;
	v6 =	vld.idx.msk [tilespmem:v21+s16+$0x0], $0xffff;
	v15 =	vmul.f32 v20, v20;
	(erf) = vrcp.f32 v23  }
0x122: {  	v9 =	vmax.f32 v3, $0.0e+00;
	v23 =	vmul.f32 v17, v10;
	v19 =	vmul.f32 v31, v31  }
0x123: {  	v17 =	vmul.f32 $1.111111120e-01, v15;
	v14 =	vmul.f32 v14, v27  }
0x124: {  	v18 =	vmul.f32 $1.111111120e-01, v23;
	v27 =	vmax.f32 v1, $0.0e+00;
	v1 =	vmovc v0;
	(erf) = vrcp.f32 v28  }
0x125: {  	v21 =	vmul.f32 v26, v13;
	v3 =	vld.idx.msk [tilespmem:v11+s16+$0x0], $0xffff;
	v11 =	vadd.f32 $1.428571490e-01, v17;
	v17 =	vmul.f32 $1.111111120e-01, v19  }
0x126: {  	v16 =	vmul.f32 $1.442695020e+00, v16;
	v26 =	vand.u32 $0x7FFFFFFF, v30;
	v18 =	vadd.f32 $1.428571490e-01, v18;
	v0 =	vmovc v30  }
0x127: {  	v28 =	vld.idx.msk [tilespmem:v22+s16+$0x0], $0xffff;
	v22 =	vand.u32 $0x7FFFFFFF, v6;
	v11 =	vmul.f32 v11, v15;
	v17 =	vadd.f32 $1.428571490e-01, v17  }
0x128: {  	v29 =	vadd.f32 $3.333333430e-01, v21;
	v18 =	vmul.f32 v18, v23;
	v32 =	vsub.f32 $0.0e+00, v22  }
0x129: {  	v30 =	vadd.f32 v12, v12;
	v11 =	vadd.f32 $2.000000030e-01, v11;
	v17 =	vmul.f32 v17, v19  }
0x12a: {  	v12 =	vmul.f32 $1.442695020e+00, v32;
	(erf) = vpow2.f32 v16;
	v22 =	vpop (erf);
	v16 =	vadd.f32 $2.000000030e-01, v18  }
0x12b: {  	v21 =	vand.u32 $0x7FFFFFFF, v3;
	v11 =	vmul.f32 v11, v15;
	v17 =	vadd.f32 $2.000000030e-01, v17  }
0x12c: {  	v26 =	vsub.f32 $0.0e+00, v26;
	(erf) = vpow2.f32 v12;
	v32 =	vmul.f32 v16, v23;
	v33 =	vld [tilespmem:s23+$0xFFFFFFF0]  }
0x12d: {  	v16 =	vsub.f32 $0.0e+00, v21;
	v12 =	vand.u32 $0x7FFFFFFF, v28;
	v18 =	vpop (erf);
	v17 =	vmul.f32 v17, v19  }
0x12e: {  	v34 =	vsub.f32 $0.0e+00, v12;
	v21 =	vadd.f32 $3.333333430e-01, v11;
	v11 =	vmul.f32 v29, v13  }
0x12f: {  	v12 =	vmul.f32 v18, v25;
	v25 =	vadd.f32 $3.333333430e-01, v32;
	v13 =	vadd.f32 $3.333333430e-01, v17  }
0x130: {  	v26 =	vmul.f32 $1.442695020e+00, v26;
	v17 =	vmul.f32 v22, v24;
	v11 =	vadd.f32 $1.000000000e+00, v11  }
0x131: {  	s23 =	sadd.s32 $0x40, s23;
	v18 =	vadd.f32 v20, v20;
	v20 =	vmul.f32 v25, v23;
	v13 =	vmul.f32 v13, v19  }
.Ltmp1:
0x132: {  	v23 =	vmul.f32 $1.442695020e+00, v34;
	v25 =	vadd.f32 v10, v10;
	v11 =	vmul.f32 v11, v30;
	v10 =	vmovc v17;
	(pc) =	sbr.rel @p0 .LBB2_4-.Ltmp1, $4  }
0x133: {  	v29 =	vadd.f32 $1.000000000e+00, v20;
	(erf) = vpow2.f32 v26;
	v19 =	vpop (erf);
	v26 =	vadd.f32 $1.000000000e+00, v13  }
0x134: {  	v30 =	vadd.f32 v31, v31;
	v13 =	vmul.f32 v12, v12;
	v31 =	vadd.f32 v11, v27;
	v22 =	vld [tilespmem:s24+$0xFFFFFFE0]  }
0x135: {  	v11 =	vmax.f32 v28, $0.0e+00;
	v25 =	vmul.f32 v29, v25;
	(erf) = vpow2.f32 v23;
	v20 =	vpop (erf);
	v24 =	vld [tilespmem:s24+$0xFFFFFFD0];
	s24 =	smov.u32 s23  }
0x136: {  	s26 =	sadd.s32 $0x40, s26;
	v26 =	vmul.f32 v26, v30;
	v23 =	vmul.f32 v31, v33;
	v27 =	vadd.f32 $2.000000000e+00, v20  }
0x137: {  	_ =	sdelay $0x5  }
0x138: {  	v28 =	vpop (erf)  }
0x139: {  	v29 =	vadd.f32 $2.000000000e+00, v19;
	v30 =	vpop (erf)  }
0x13a: {  	(erf) = vrcp.f32 v27;
	v27 =	vadd.f32 $2.000000000e+00, v30  }
0x13b: {  	(erf) = vrcp.f32 v29;
	v29 =	vadd.f32 $2.000000000e+00, v28  }
0x13c: {  	v16 =	vmul.f32 $1.442695020e+00, v16;
	(erf) = vrcp.f32 v27  }
0x13d: {  	(erf) = vrcp.f32 v29  }
0x13e: {  	(erf) = vpow2.f32 v16;
	_ =	sdelay $0x4  }
0x13f: {  	v27 =	vpop (erf)  }
0x140: {  	v29 =	vpop (erf)  }
0x141: {  	v31 =	vpop (erf)  }
0x142: {  	v32 =	vpop (erf)  }
0x143: {  	v33 =	vpop (erf)  }
0x144: {  	v16 =	vadd.f32 $2.000000000e+00, v33;
	_ =	sdelay $0x1  }
0x145: {  	(erf) = vrcp.f32 v16  }
0x146: {  	v38 =	vmul.f32 $1.111111120e-01, v13  }
0x147: {  	v34 =	vld [tilespmem:s23+$0x0];
	v26 =	vadd.f32 v26, v8  }
0x148: {  	v35 =	vld [tilespmem:s23+$0xFFFFFFF0];
	v15 =	vmul.f32 v21, v15;
	v21 =	vadd.f32 v25, v7;
	v25 =	vadd.f32 $1.428571490e-01, v38  }
0x149: {  	v36 =	vld [tilespmem:s24+$0xFFFFFFE0];
	v17 =	vmul.f32 v17, v10;
	v2 =	vmax.f32 v2, $0.0e+00;
	v24 =	vmul.f32 v26, v24  }
0x14a: {  	s28 =	sadd.s32 $0x40, s23;
	v37 =	vld [tilespmem:s24+$0xFFFFFFD0];
	v26 =	vadd.f32 $1.000000000e+00, v15;
	v25 =	vmul.f32 v25, v13;
	v19 =	vmul.f32 v29, v19  }
0x14b: {  	v8 =	vld [tilespmem:s28+$0xFFFFFFF0];
	v14 =	vadd.f32 v14, v23;
	v21 =	vmul.f32 v21, v22;
	v20 =	vmul.f32 v27, v20  }
0x14c: {  	v7 =	vld [tilespmem:s28+$0xFFFFFFE0];
	v18 =	vmul.f32 v26, v18;
	v25 =	vadd.f32 $2.000000030e-01, v25;
	v22 =	vmul.f32 v19, v19  }
0x14d: {  	v15 =	vld [tilespmem:s28+$0xFFFFFFD0];
	v21 =	vadd.f32 v21, v24;
	v27 =	vmul.f32 $1.111111120e-01, v17;
	v24 =	vmul.f32 v20, v20  }
0x14e: {  	v2 =	vadd.f32 v18, v2;
	v18 =	vmul.f32 v25, v13;
	v23 =	vmul.f32 $1.111111120e-01, v22;
	v16 =	vld [tilespmem:s28+$0x0];
	[tilespmem:s16], [sflag:$0x2] =	stream.indirect.gather [hbm4b:s3+s10], $0x80, s20, s10, $0xb8;
	v29 =	vpop (erf)  }
0x14f: {  	v14 =	vadd.f32 v14, v21;
	v27 =	vadd.f32 $1.428571490e-01, v27;
	v21 =	vmul.f32 $1.111111120e-01, v24;
	_ =	swait.ge [sflag:s17], $0x4000  }
0x150: {  	v18 =	vadd.f32 $3.333333430e-01, v18;
	v23 =	vadd.f32 $1.428571490e-01, v23;
	[sflag:s17] =	ssyncset.done $0x0  }
0x151: {  	s29 =	simm.s32 $0x1230;
	v26 =	vmul.f32 v27, v17;
	v21 =	vadd.f32 $1.428571490e-01, v21;
	[sflag:s17] =	ssyncadd.s32 $0xFFFFC000  }
0x152: {  	v12 =	vadd.f32 v12, v12;
	v13 =	vmul.f32 v18, v13;
	v23 =	vmul.f32 v23, v22;
	v27 =	vld [tilespmem:s29+$0x0]  }
0x153: {  	v5 =	vadd.f32 v14, v5;
	v25 =	vadd.f32 $2.000000030e-01, v26;
	v14 =	vmul.f32 v21, v24  }
0x154: {  	v13 =	vadd.f32 $1.000000000e+00, v13;
	v23 =	vadd.f32 $2.000000030e-01, v23  }
0x155: {  	v21 =	vmul.f32 v25, v17;
	v14 =	vadd.f32 $2.000000030e-01, v14  }
0x156: {  	v1 =	vmax.f32 v1, $0.0e+00;
	v12 =	vmul.f32 v13, v12;
	v23 =	vmul.f32 v23, v22  }
0x157: {  	s30 =	simm.s32 $0x180;
	v21 =	vadd.f32 $3.333333430e-01, v21;
	v14 =	vmul.f32 v14, v24;
	v18 =	vand.u32 $0xFFFFFF80, v27  }
0x158: {  	v23 =	vadd.f32 $3.333333430e-01, v23;
	v25 =	vand.u32 $0x7F, v27;
	v18 =	vadd.s32 s30, v18  }
0x159: {  	v10 =	vadd.f32 v10, v10;
	v17 =	vmul.f32 v21, v17;
	v21 =	vld [tilespmem:s29+$0xFFFFFFF0];
	v18 =	vor.u32 v25, v18  }
0x15a: {  	v1 =	vadd.f32 v12, v1;
	v14 =	vadd.f32 $3.333333430e-01, v14;
	v22 =	vmul.f32 v23, v22  }
0x15b: {  	v2 =	vmul.f32 v2, v34;
	v19 =	vadd.f32 v19, v19;
	v17 =	vadd.f32 $1.000000000e+00, v17  }
0x15c: {  	v1 =	vmul.f32 v1, v35;
	v14 =	vmul.f32 v14, v24;
	v22 =	vadd.f32 $1.000000000e+00, v22;
	v23 =	vld [tilespmem:s29+$0xFFFFFFE0]  }
0x15d: {  	v6 =	vmax.f32 v6, $0.0e+00;
	v13 =	vmul.f32 v32, v28;
	v10 =	vmul.f32 v17, v10  }
0x15e: {  	s31 =	simm.s32 $0x100;
	v14 =	vadd.f32 $1.000000000e+00, v14;
	v17 =	vmul.f32 v22, v19;
	v19 =	vand.u32 $0xFFFFFF80, v21;
	v12 =	vld.idx.msk [tilespmem:v18+s14+$0x0], $0xffff  }
0x15f: {  	v21 =	vand.u32 $0x7F, v21;
	v19 =	vadd.s32 s31, v19;
	v25 =	vmul.f32 v31, v30  }
0x160: {  	v19 =	vor.u32 v21, v19;
	v18 =	vadd.f32 v20, v20;
	v20 =	vmul.f32 v13, v13  }
0x161: {  	s25 =	simm.s32 $0x80;
	v26 =	vmul.f32 v29, v33;
	v21 =	vand.u32 $0xFFFFFF80, v23;
	v23 =	vand.u32 $0x7F, v23  }
0x162: {  	v21 =	vadd.s32 s25, v21;
	v28 =	vmul.f32 v25, v25;
	v22 =	vmul.f32 $1.111111120e-01, v20  }
0x163: {  	v9 =	vadd.f32 v17, v9;
	v21 =	vor.u32 v23, v21;
	v27 =	vand.u32 $0x7FFFFFFF, v12  }
0x164: {  	v24 =	vmul.f32 $1.111111120e-01, v28;
	v22 =	vadd.f32 $1.428571490e-01, v22;
	v23 =	vsub.f32 $0.0e+00, v27  }
0x165: {  	v17 =	vmul.f32 v26, v26;
	v9 =	vmul.f32 v9, v37;
	v27 =	vadd.f32 v10, v4;
	v10 =	vld.idx.msk [tilespmem:v19+s14+$0x0], $0xffff  }
0x166: {  	v19 =	vmul.f32 v22, v20;
	v22 =	vadd.f32 $1.428571490e-01, v24;
	v24 =	vld [tilespmem:s29+$0xFFFFFFD0];
	v23 =	vmul.f32 $1.442695020e+00, v23  }
0x167: {  	v14 =	vmul.f32 v14, v18;
	v18 =	vadd.f32 v2, v1;
	v4 =	vmul.f32 $1.111111120e-01, v17  }
0x168: {  	v19 =	vadd.f32 $2.000000030e-01, v19;
	v22 =	vmul.f32 v22, v28;
	(erf) = vpow2.f32 v23  }
0x169: {  	v6 =	vadd.f32 v14, v6;
	v23 =	vadd.f32 $1.428571490e-01, v4;
	v4 =	vld.idx.msk [tilespmem:v21+s14+$0x0], $0xffff;
	v21 =	vmul.f32 v27, v36  }
0x16a: {  	s26 =	simm.s32 $0x1270;
	v2 =	vmul.f32 v19, v20;
	v19 =	vadd.f32 $2.000000030e-01, v22;
	v22 =	vand.u32 $0x7FFFFFFF, v10  }
0x16b: {  	s28 =	simm.s32 $0x0;
	v27 =	vand.u32 $0xFFFFFF80, v24;
	v1 =	vmul.f32 v23, v17;
	v23 =	vld [tilespmem:s26+$0x0];
	v22 =	vsub.f32 $0.0e+00, v22  }
0x16c: {  	v24 =	vand.u32 $0x7F, v24;
	v27 =	vadd.s32 s28, v27;
	v2 =	vadd.f32 $3.333333430e-01, v2  }
0x16d: {  	v19 =	vmul.f32 v19, v28;
	v24 =	vor.u32 v24, v27;
	v22 =	vmul.f32 $1.442695020e+00, v22  }
0x16e: {  	v6 =	vmul.f32 v6, v16;
	v1 =	vadd.f32 $2.000000030e-01, v1;
	v29 =	vand.u32 $0x7FFFFFFF, v4  }
0x16f: {  	v19 =	vadd.f32 $3.333333430e-01, v19;
	v2 =	vmul.f32 v2, v20;
	v27 =	vsub.f32 $0.0e+00, v29  }
0x170: {  	s29 =	simm.s32 $0x380;
	v1 =	vmul.f32 v1, v17;
	(erf) = vpow2.f32 v22;
	v29 =	vand.u32 $0xFFFFFF80, v23  }
0x171: {  	v23 =	vand.u32 $0x7F, v23;
	v27 =	vmul.f32 $1.442695020e+00, v27;
	v29 =	vadd.s32 s29, v29;
	v22 =	vpop (erf)  }
0x172: {  	v1 =	vadd.f32 $3.333333430e-01, v1;
	v20 =	vld.idx.msk [tilespmem:v24+s14+$0x0], $0xffff;
	v23 =	vor.u32 v23, v29;
	v59 =	vadd.f32 $2.000000000e+00, v22  }
0x173: {  	v13 =	vadd.f32 v13, v13;
	v14 =	vmul.f32 v19, v28;
	v19 =	vld [tilespmem:s26+$0xFFFFFFF0];
	(erf) = vpow2.f32 v27  }
0x174: {  	v16 =	vadd.f32 v26, v26;
	v1 =	vmul.f32 v1, v17;
	(erf) = vrcp.f32 v59  }
0x175: {  	v9 =	vadd.f32 v21, v9;
	v21 =	vadd.f32 $1.000000000e+00, v2;
	v17 =	vld [tilespmem:s26+$0xFFFFFFE0]  }
0x176: {  	v24 =	vadd.f32 v25, v25;
	v1 =	vadd.f32 $1.000000000e+00, v1  }
0x177: {  	v14 =	vadd.f32 $1.000000000e+00, v14;
	v13 =	vmul.f32 v21, v13;
	v21 =	vand.u32 $0x7FFFFFFF, v20;
	v2 =	vld.idx.msk [tilespmem:v23+s14+$0x0], $0xffff  }
0x178: {  	s30 =	simm.s32 $0x300;
	v1 =	vmul.f32 v1, v16;
	v16 =	vsub.f32 $0.0e+00, v21;
	v21 =	vand.u32 $0xFFFFFF80, v19  }
0x179: {  	v0 =	vmax.f32 v0, $0.0e+00;
	v14 =	vmul.f32 v14, v24;
	v21 =	vadd.s32 s30, v21  }
0x17a: {  	s31 =	simm.s32 $0x280;
	v0 =	vadd.f32 v13, v0;
	v19 =	vand.u32 $0x7F, v19;
	v24 =	vand.u32 $0xFFFFFF80, v17  }
0x17b: {  	v23 =	vpop (erf);
	v17 =	vand.u32 $0x7F, v17;
	v19 =	vor.u32 v19, v21;
	v24 =	vadd.s32 s31, v24  }
0x17c: {  	v3 =	vmax.f32 v3, $0.0e+00;
	v17 =	vor.u32 v17, v24;
	v21 =	vpop (erf);
	v24 =	vand.u32 $0x7FFFFFFF, v2  }
0x17d: {  	v27 =	vld [tilespmem:s26+$0xFFFFFFD0];
	v0 =	vmul.f32 v0, v8;
	v25 =	vadd.f32 $2.000000000e+00, v21;
	v24 =	vsub.f32 $0.0e+00, v24;
	v26 =	vpop (erf)  }
0x17e: {  	v28 =	vadd.f32 $2.000000000e+00, v23;
	v16 =	vmul.f32 $1.442695020e+00, v16;
	v22 =	vmul.f32 v26, v22  }
0x17f: {  	v8 =	vadd.f32 v14, v11;
	(erf) = vrcp.f32 v25;
	v13 =	vmul.f32 $1.442695020e+00, v24  }
0x180: {  	v3 =	vadd.f32 v1, v3;
	v1 =	vld.idx.msk [tilespmem:v19+s14+$0x0], $0xffff;
	(erf) = vrcp.f32 v28;
	v19 =	vmul.f32 v22, v22  }
0x181: {  	v7 =	vmul.f32 v8, v7;
	v11 =	vld.idx.msk [tilespmem:v17+s14+$0x0], $0xffff;
	(erf) = vpow2.f32 v16  }
0x182: {  	s25 =	simm.s32 $0x200;
	(erf) = vpow2.f32 v13;
	v13 =	vand.u32 $0xFFFFFF80, v27;
	v14 =	vmul.f32 $1.111111120e-01, v19  }
0x183: {  	v3 =	vmul.f32 v3, v15;
	v8 =	vadd.s32 s25, v13;
	v13 =	vand.u32 $0x7F, v27  }
0x184: {  	v9 =	vadd.f32 v18, v9;
	v8 =	vor.u32 v13, v8;
	v13 =	vadd.f32 $1.428571490e-01, v14  }
0x185: {  	v0 =	vadd.f32 v6, v0;
	v3 =	vadd.f32 v7, v3;
	v6 =	vand.u32 $0x7FFFFFFF, v1  }
0x186: {  	v6 =	vsub.f32 $0.0e+00, v6;
	v7 =	vmul.f32 v13, v19;
	v13 =	vand.u32 $0x7FFFFFFF, v11  }
0x187: {  	v13 =	vsub.f32 $0.0e+00, v13  }
0x188: {  	v0 =	vadd.f32 v0, v3;
	v6 =	vmul.f32 $1.442695020e+00, v6;
	v3 =	vadd.f32 $2.000000030e-01, v7  }
0x189: {  	v5 =	vadd.f32 v9, v5;
	v9 =	vpop (erf)  }
0x18a: {  	s26 =	simm.s32 $0x12B0;
	(erf) = vpow2.f32 v6;
	v7 =	vpop (erf)  }
0x18b: {  	v18 =	vld [tilespmem:s26+$0x0];
	v16 =	vmul.f32 v7, v23;
	v7 =	vmul.f32 $1.442695020e+00, v13;
	v13 =	vpop (erf)  }
0x18c: {  	v5 =	vadd.f32 v0, v5;
	v0 =	vmul.f32 v3, v19;
	v3 =	vpop (erf)  }
0x18d: {  	v12 =	vmax.f32 v12, $0.0e+00;
	v14 =	vld.idx.msk [tilespmem:v8+s14+$0x0], $0xffff;
	v6 =	vadd.f32 $2.000000000e+00, v3  }
0x18e: {  	v23 =	vmul.f32 v9, v21;
	v0 =	vadd.f32 $3.333333430e-01, v0;
	(erf) = vpow2.f32 v7  }
0x18f: {  	v15 =	vld [tilespmem:s26+$0xFFFFFFF0];
	v8 =	vadd.f32 $2.000000000e+00, v13;
	v17 =	vmul.f32 v16, v16;
	(erf) = vrcp.f32 v6  }
0x190: {  	v9 =	vadd.f32 v22, v22;
	v21 =	vand.u32 $0xFFFFFF80, v18;
	v0 =	vmul.f32 v0, v19  }
0x191: {  	v7 =	vmax.f32 v4, $0.0e+00;
	v4 =	vmul.f32 $1.111111120e-01, v17;
	(erf) = vrcp.f32 v8  }
0x192: {  	v6 =	vand.u32 $0x7FFFFFFF, v14;
	v8 =	vmax.f32 v20, $0.0e+00;
	v20 =	vld [tilespmem:s26+$0xFFFFFFD0];
	v0 =	vadd.f32 $1.000000000e+00, v0  }
0x193: {  	v18 =	vand.u32 $0x7F, v18;
	v19 =	vsub.f32 $0.0e+00, v6;
	v6 =	vadd.f32 $1.428571490e-01, v4  }
0x194: {  	s28 =	simm.s32 $0x500;
	v22 =	vpop (erf);
	v4 =	vmax.f32 v11, $0.0e+00;
	v11 =	vld [tilespmem:s26+$0xFFFFFFE0];
	v9 =	vmul.f32 v0, v9;
	v0 =	vand.u32 $0xFFFFFF80, v15  }
0x195: {  	s29 =	simm.s32 $0x580;
	v28 =	vadd.f32 $2.000000000e+00, v22;
	v15 =	vand.u32 $0x7F, v15;
	v0 =	vadd.s32 s28, v0  }
0x196: {  	v6 =	vmul.f32 v6, v17;
	v0 =	vor.u32 v15, v0;
	v15 =	vadd.s32 s29, v21  }
0x197: {  	s25 =	simm.s32 $0x400;
	v19 =	vmul.f32 $1.442695020e+00, v19;
	v21 =	vand.u32 $0xFFFFFF80, v20;
	v18 =	vor.u32 v18, v15;
	v24 =	vpop (erf)  }
0x198: {  	v20 =	vand.u32 $0x7F, v20;
	v29 =	vadd.f32 $2.000000030e-01, v6;
	v15 =	vadd.s32 s25, v21;
	v26 =	vpop (erf)  }
0x199: {  	s31 =	simm.s32 $0x480;
	v21 =	vand.u32 $0xFFFFFF80, v11;
	v11 =	vand.u32 $0x7F, v11;
	v26 =	vmul.f32 v26, v3  }
0x19a: {  	s30 =	simm.s32 $0x3230;
	v25 =	vadd.f32 $2.000000000e+00, v24;
	v21 =	vadd.s32 s31, v21;
	v20 =	vor.u32 v20, v15;
	v3 =	vpop (erf)  }
0x19b: {  	v27 =	vld [tilespmem:s30+$0x0];
	v11 =	vor.u32 v11, v21;
	v60 =	vmul.f32 v3, v13;
	v15 =	vmul.f32 v26, v26  }
0x19c: {  	(erf) = vrcp.f32 v25;
	v25 =	vmax.f32 v10, $0.0e+00;
	v6 =	vld.idx.msk [tilespmem:v18+s14+$0x0], $0xffff;
	v18 =	vmul.f32 v23, v23  }
0x19d: {  	v3 =	vadd.f32 v9, v12;
	v13 =	vmul.f32 v60, v60;
	v12 =	vmul.f32 $1.111111120e-01, v15  }
0x19e: {  	v0 =	vld.idx.msk [tilespmem:v0+s14+$0x0], $0xffff;
	v9 =	vmax.f32 v14, $0.0e+00;
	(erf) = vrcp.f32 v28;
	v21 =	vmul.f32 $1.111111120e-01, v18  }
0x19f: {  	v23 =	vadd.f32 v23, v23;
	v10 =	vadd.f32 $1.428571490e-01, v12;
	v12 =	vmul.f32 $1.111111120e-01, v13  }
0x1a0: {  	(erf) = vpow2.f32 v19;
	v14 =	vmul.f32 v3, v27;
	v21 =	vadd.f32 $1.428571490e-01, v21  }
0x1a1: {  	v27 =	vmul.f32 v29, v17;
	v3 =	vld.idx.msk [tilespmem:v20+s14+$0x0], $0xffff;
	v28 =	vand.u32 $0x7FFFFFFF, v6;
	v12 =	vadd.f32 $1.428571490e-01, v12  }
0x1a2: {  	v29 =	vadd.f32 v16, v16;
	v28 =	vsub.f32 $0.0e+00, v28;
	v21 =	vmul.f32 v21, v18  }
0x1a3: {  	v11 =	vld.idx.msk [tilespmem:v11+s14+$0x0], $0xffff;
	v20 =	vand.u32 $0x7FFFFFFF, v0;
	v27 =	vadd.f32 $3.333333430e-01, v27;
	v12 =	vmul.f32 v12, v13  }
0x1a4: {  	v20 =	vsub.f32 $0.0e+00, v20;
	v16 =	vmul.f32 $1.442695020e+00, v28;
	v19 =	vadd.f32 $2.000000030e-01, v21  }
0x1a5: {  	v17 =	vmul.f32 v27, v17;
	v10 =	vmul.f32 v10, v15;
	v12 =	vadd.f32 $2.000000030e-01, v12  }
0x1a6: {  	v21 =	vand.u32 $0x7FFFFFFF, v3;
	(erf) = vpow2.f32 v16;
	v19 =	vmul.f32 v19, v18  }
0x1a7: {  	v20 =	vmul.f32 $1.442695020e+00, v20;
	v10 =	vadd.f32 $2.000000030e-01, v10;
	v16 =	vsub.f32 $0.0e+00, v21  }
0x1a8: {  	v28 =	vpop (erf);
	v21 =	vand.u32 $0x7FFFFFFF, v11;
	v27 =	vadd.f32 $3.333333430e-01, v19;
	v61 =	vmul.f32 v12, v13  }
0x1a9: {  	v17 =	vadd.f32 $1.000000000e+00, v17;
	v10 =	vmul.f32 v10, v15;
	v62 =	vsub.f32 $0.0e+00, v21;
	v12 =	vpop (erf)  }
0x1aa: {  	v18 =	vmul.f32 v27, v18;
	v12 =	vmul.f32 v12, v22;
	v22 =	vadd.f32 $3.333333430e-01, v61  }
0x1ab: {  	v21 =	vadd.f32 $3.333333430e-01, v10;
	v10 =	vmul.f32 v28, v24;
	v28 =	vld [tilespmem:s30+$0xFFFFFFF0];
	v24 =	vmul.f32 $1.442695020e+00, v62  }
0x1ac: {  	v18 =	vadd.f32 $1.000000000e+00, v18;
	v13 =	vmul.f32 v22, v13;
	v22 =	vmul.f32 v17, v29  }
0x1ad: {  	(erf) = vpow2.f32 v20;
	v19 =	vadd.f32 v26, v26;
	v29 =	vadd.f32 v60, v60  }
0x1ae: {  	(erf) = vpow2.f32 v24;
	v24 =	vld [tilespmem:s30+$0xFFFFFFD0];
	v17 =	vpop (erf);
	v26 =	vadd.f32 $1.000000000e+00, v13;
	v63 =	vadd.f32 v22, v25  }
0x1af: {  	s23 =	simm.s32 $0x3270;
	v11 =	vmax.f32 v11, $0.0e+00;
	v20 =	vpop (erf);
	v13 =	vmul.f32 v12, v12;
	v22 =	vld [tilespmem:s30+$0xFFFFFFE0];
	v25 =	vmul.f32 v18, v23  }
0x1b0: {  	s24 =	simm.s32 $0x3270;
	s26 =	simm.s32 $0x12F0;
	s25 =	simm.s32 $0xC;
	v27 =	vadd.f32 $2.000000000e+00, v20;
	v18 =	vmovc v10;
	v26 =	vmul.f32 v26, v29;
	v23 =	vmul.f32 v63, v28  }
.LBB2_6:
0x1b1: {  	v28 =	vld [tilespmem:s26+$0xFFFFFFF0];
	p0 =	sne.s32 s25, $0x7C;
	v29 =	vadd.f32 $2.000000000e+00, v17;
	v30 =	vmul.f32 $1.111111120e-01, v13;
	v15 =	vmul.f32 v21, v15;
	s28 =	smov.u32 s25;
	s25 =	sadd.s32 $0x4, s25  }
0x1b2: {  	v25 =	vadd.f32 v25, v7;
	v7 =	vmovc v4;
	v21 =	vld [tilespmem:s26+$0x0];
	(erf) = vrcp.f32 v27;
	v26 =	vadd.f32 v26, v8;
	v8 =	vmovc v9  }
0x1b3: {  	v4 =	vmovc v11;
	v9 =	vld [tilespmem:s26+$0xFFFFFFE0];
	v27 =	vadd.f32 $1.428571490e-01, v30;
	v15 =	vadd.f32 $1.000000000e+00, v15;
	(erf) = vrcp.f32 v29  }
0x1b4: {  	v29 =	vmax.f32 v2, $0.0e+00;
	v22 =	vmul.f32 v25, v22;
	v2 =	vmovc v6;
	v11 =	vld [tilespmem:s26+$0xFFFFFFD0];
	v24 =	vmul.f32 v26, v24  }
0x1b5: {  	s28 =	sshll.u32 s28, $0x7;
	v14 =	vadd.f32 v14, v23;
	v6 =	vmul.f32 v27, v13;
	v19 =	vmul.f32 v15, v19  }
0x1b6: {  	s29 =	sadd.s32 $0x100, s28;
	v15 =	vand.u32 $0xFFFFFF80, v28;
	v23 =	vand.u32 $0x7F, v28;
	v25 =	vpop (erf);
	v22 =	vadd.f32 v22, v24  }
0x1b7: {  	v15 =	vadd.s32 s29, v15;
	v26 =	vand.u32 $0xFFFFFF80, v21;
	v21 =	vand.u32 $0x7F, v21;
	s29 =	sadd.s32 $0x180, s28  }
0x1b8: {  	v15 =	vor.u32 v23, v15;
	v23 =	vadd.s32 s29, v26;
	v24 =	vpop (erf);
	v14 =	vadd.f32 v14, v22  }
0x1b9: {  	s29 =	sadd.s32 $0x80, s28;
	v22 =	vand.u32 $0xFFFFFF80, v11;
	v21 =	vor.u32 v21, v23;
	v23 =	vadd.f32 $2.000000000e+00, v24  }
0x1ba: {  	v27 =	vand.u32 $0xFFFFFF80, v9;
	v22 =	vadd.s32 s28, v22;
	v5 =	vadd.f32 v14, v5  }
0x1bb: {  	v9 =	vand.u32 $0x7F, v9;
	v11 =	vand.u32 $0x7F, v11;
	v14 =	vadd.s32 s29, v27;
	v26 =	vpop (erf);
	v27 =	vld [tilespmem:s23+$0x0]  }
0x1bc: {  	v28 =	vadd.f32 $2.000000000e+00, v25;
	v20 =	vmul.f32 v26, v20;
	v26 =	vadd.f32 $2.000000030e-01, v6;
	v6 =	vpop (erf)  }
0x1bd: {  	v11 =	vor.u32 v11, v22;
	v22 =	vor.u32 v9, v14;
	v30 =	vld.idx.msk [tilespmem:v15+s14+$0x0], $0xffff;
	v31 =	vmul.f32 v6, v17  }
0x1be: {  	v14 =	vadd.f32 v19, v29;
	v6 =	vld.idx.msk [tilespmem:v21+s14+$0x0], $0xffff;
	v15 =	vmul.f32 v20, v20;
	(erf) = vrcp.f32 v23  }
0x1bf: {  	v9 =	vmax.f32 v3, $0.0e+00;
	v23 =	vmul.f32 v18, v10;
	v17 =	vmul.f32 v31, v31  }
0x1c0: {  	v18 =	vmul.f32 $1.111111120e-01, v15;
	v14 =	vmul.f32 v14, v27  }
0x1c1: {  	v19 =	vmul.f32 $1.111111120e-01, v23;
	v27 =	vmax.f32 v1, $0.0e+00;
	v1 =	vmovc v0;
	(erf) = vrcp.f32 v28  }
0x1c2: {  	v21 =	vmul.f32 v26, v13;
	v3 =	vld.idx.msk [tilespmem:v11+s14+$0x0], $0xffff;
	v11 =	vadd.f32 $1.428571490e-01, v18;
	v18 =	vmul.f32 $1.111111120e-01, v17  }
0x1c3: {  	v16 =	vmul.f32 $1.442695020e+00, v16;
	v26 =	vand.u32 $0x7FFFFFFF, v30;
	v19 =	vadd.f32 $1.428571490e-01, v19;
	v0 =	vmovc v30  }
0x1c4: {  	v28 =	vld.idx.msk [tilespmem:v22+s14+$0x0], $0xffff;
	v22 =	vand.u32 $0x7FFFFFFF, v6;
	v11 =	vmul.f32 v11, v15;
	v18 =	vadd.f32 $1.428571490e-01, v18  }
0x1c5: {  	v29 =	vadd.f32 $3.333333430e-01, v21;
	v19 =	vmul.f32 v19, v23;
	v32 =	vsub.f32 $0.0e+00, v22  }
0x1c6: {  	v30 =	vadd.f32 v12, v12;
	v11 =	vadd.f32 $2.000000030e-01, v11;
	v18 =	vmul.f32 v18, v17  }
0x1c7: {  	v12 =	vmul.f32 $1.442695020e+00, v32;
	(erf) = vpow2.f32 v16;
	v22 =	vpop (erf);
	v16 =	vadd.f32 $2.000000030e-01, v19  }
0x1c8: {  	v21 =	vand.u32 $0x7FFFFFFF, v3;
	v11 =	vmul.f32 v11, v15;
	v18 =	vadd.f32 $2.000000030e-01, v18  }
0x1c9: {  	v26 =	vsub.f32 $0.0e+00, v26;
	(erf) = vpow2.f32 v12;
	v32 =	vmul.f32 v16, v23;
	v33 =	vld [tilespmem:s23+$0xFFFFFFF0]  }
0x1ca: {  	v16 =	vsub.f32 $0.0e+00, v21;
	v12 =	vand.u32 $0x7FFFFFFF, v28;
	v19 =	vpop (erf);
	v18 =	vmul.f32 v18, v17  }
0x1cb: {  	v34 =	vsub.f32 $0.0e+00, v12;
	v21 =	vadd.f32 $3.333333430e-01, v11;
	v11 =	vmul.f32 v29, v13  }
0x1cc: {  	v12 =	vmul.f32 v19, v25;
	v25 =	vadd.f32 $3.333333430e-01, v32;
	v13 =	vadd.f32 $3.333333430e-01, v18  }
0x1cd: {  	v26 =	vmul.f32 $1.442695020e+00, v26;
	v18 =	vmul.f32 v22, v24;
	v11 =	vadd.f32 $1.000000000e+00, v11  }
0x1ce: {  	s23 =	sadd.s32 $0x40, s23;
	v19 =	vadd.f32 v20, v20;
	v20 =	vmul.f32 v25, v23;
	v13 =	vmul.f32 v13, v17  }
.Ltmp2:
0x1cf: {  	v23 =	vmul.f32 $1.442695020e+00, v34;
	v25 =	vadd.f32 v10, v10;
	v11 =	vmul.f32 v11, v30;
	v10 =	vmovc v18;
	(pc) =	sbr.rel @p0 .LBB2_6-.Ltmp2, $4  }
0x1d0: {  	v29 =	vadd.f32 $1.000000000e+00, v20;
	(erf) = vpow2.f32 v26;
	v17 =	vpop (erf);
	v26 =	vadd.f32 $1.000000000e+00, v13  }
0x1d1: {  	v30 =	vadd.f32 v31, v31;
	v13 =	vmul.f32 v12, v12;
	v31 =	vadd.f32 v11, v27;
	v22 =	vld [tilespmem:s24+$0xFFFFFFE0]  }
0x1d2: {  	v11 =	vmax.f32 v28, $0.0e+00;
	v25 =	vmul.f32 v29, v25;
	(erf) = vpow2.f32 v23;
	v20 =	vpop (erf);
	v24 =	vld [tilespmem:s24+$0xFFFFFFD0];
	s24 =	smov.u32 s23  }
0x1d3: {  	s26 =	sadd.s32 $0x40, s26;
	v26 =	vmul.f32 v26, v30;
	v23 =	vmul.f32 v31, v33;
	v27 =	vadd.f32 $2.000000000e+00, v20  }
0x1d4: {  	_ =	sdelay $0x5  }
0x1d5: {  	v28 =	vpop (erf)  }
0x1d6: {  	v29 =	vadd.f32 $2.000000000e+00, v17;
	v30 =	vpop (erf)  }
0x1d7: {  	(erf) = vrcp.f32 v27;
	v27 =	vadd.f32 $2.000000000e+00, v30  }
0x1d8: {  	(erf) = vrcp.f32 v29;
	v29 =	vadd.f32 $2.000000000e+00, v28  }
0x1d9: {  	v16 =	vmul.f32 $1.442695020e+00, v16;
	(erf) = vrcp.f32 v27  }
0x1da: {  	(erf) = vrcp.f32 v29  }
0x1db: {  	(erf) = vpow2.f32 v16;
	_ =	sdelay $0x4  }
0x1dc: {  	v16 =	vpop (erf)  }
0x1dd: {  	v27 =	vpop (erf)  }
0x1de: {  	v29 =	vpop (erf)  }
0x1df: {  	v31 =	vpop (erf)  }
0x1e0: {  	v32 =	vpop (erf)  }
0x1e1: {  	v33 =	vadd.f32 $2.000000000e+00, v32;
	_ =	sdelay $0x1  }
0x1e2: {  	(erf) = vrcp.f32 v33;
	_ =	sdelay $0x2  }
0x1e3: {  	v57 =	vld [tilespmem:s23+$0x0];
	v36 =	vmul.f32 $1.111111120e-01, v13;
	v7 =	vadd.f32 v25, v7  }
0x1e4: {  	v34 =	vld [tilespmem:s23+$0xFFFFFFF0];
	v21 =	vmul.f32 v21, v15;
	v18 =	vmul.f32 v18, v10;
	v8 =	vadd.f32 v26, v8  }
0x1e5: {  	v35 =	vld [tilespmem:s24+$0xFFFFFFE0];
	v22 =	vmul.f32 v7, v22;
	v25 =	vmul.f32 v27, v17  }
0x1e6: {  	s28 =	sadd.s32 $0x40, s23;
	v2 =	vmax.f32 v2, $0.0e+00;
	v26 =	vld [tilespmem:s24+$0xFFFFFFD0];
	v8 =	vmul.f32 v8, v24;
	v20 =	vmul.f32 v16, v20  }
0x1e7: {  	v15 =	vld [tilespmem:s28+$0xFFFFFFF0];
	v14 =	vadd.f32 v14, v23;
	v27 =	vadd.f32 $1.428571490e-01, v36;
	v24 =	vmul.f32 v25, v25  }
0x1e8: {  	v7 =	vld [tilespmem:s28+$0xFFFFFFE0];
	v58 =	vmul.f32 $1.111111120e-01, v18;
	v8 =	vadd.f32 v22, v8;
	v22 =	vmul.f32 v20, v20  }
0x1e9: {  	v21 =	vadd.f32 $1.000000000e+00, v21;
	v16 =	vld [tilespmem:s28+$0xFFFFFFD0];
	v27 =	vmul.f32 v27, v13;
	v23 =	vmul.f32 $1.111111120e-01, v24;
	v37 =	vpop (erf)  }
0x1ea: {  	v8 =	vadd.f32 v14, v8;
	v17 =	vld [tilespmem:s28+$0x0];
	v36 =	vadd.f32 $1.428571490e-01, v58;
	v14 =	vmul.f32 $1.111111120e-01, v22;
	_ =	swait.ge [sflag:s19], $0x4000  }
0x1eb: {  	v19 =	vmul.f32 v21, v19;
	v21 =	vadd.f32 $2.000000030e-01, v27;
	v23 =	vadd.f32 $1.428571490e-01, v23;
	[sflag:s19] =	ssyncset.done $0x0  }
0x1ec: {  	s29 =	simm.s32 $0x1A30;
	v12 =	vadd.f32 v12, v12;
	v27 =	vmul.f32 v36, v18;
	v14 =	vadd.f32 $1.428571490e-01, v14;
	[sflag:s19] =	ssyncadd.s32 $0xFFFFC000  }
0x1ed: {  	v2 =	vadd.f32 v19, v2;
	v19 =	vmul.f32 v21, v13;
	v21 =	vmul.f32 v23, v24;
	v59 =	vld [tilespmem:s29+$0x0]  }
0x1ee: {  	v5 =	vadd.f32 v8, v5;
	v8 =	vmul.f32 v14, v22;
	v23 =	vadd.f32 $2.000000030e-01, v27  }
0x1ef: {  	v19 =	vadd.f32 $3.333333430e-01, v19;
	v21 =	vadd.f32 $2.000000030e-01, v21  }
0x1f0: {  	v1 =	vmax.f32 v1, $0.0e+00;
	v8 =	vadd.f32 $2.000000030e-01, v8;
	v14 =	vmul.f32 v23, v18  }
0x1f1: {  	v6 =	vmax.f32 v6, $0.0e+00;
	v13 =	vmul.f32 v19, v13;
	v21 =	vmul.f32 v21, v24  }
0x1f2: {  	s30 =	simm.s32 $0x180;
	v8 =	vmul.f32 v8, v22;
	v14 =	vadd.f32 $3.333333430e-01, v14;
	v19 =	vand.u32 $0xFFFFFF80, v59  }
0x1f3: {  	v21 =	vadd.f32 $3.333333430e-01, v21;
	v23 =	vand.u32 $0x7F, v59;
	v19 =	vadd.s32 s30, v19  }
0x1f4: {  	v13 =	vadd.f32 $1.000000000e+00, v13;
	v14 =	vmul.f32 v14, v18;
	v18 =	vld [tilespmem:s29+$0xFFFFFFF0];
	v19 =	vor.u32 v23, v19  }
0x1f5: {  	v25 =	vadd.f32 v25, v25;
	v8 =	vadd.f32 $3.333333430e-01, v8;
	v21 =	vmul.f32 v21, v24  }
0x1f6: {  	v14 =	vadd.f32 $1.000000000e+00, v14;
	v23 =	vadd.f32 v10, v10;
	v10 =	vmul.f32 v13, v12  }
0x1f7: {  	v8 =	vmul.f32 v8, v22;
	v24 =	vmul.f32 v29, v30;
	v13 =	vadd.f32 $1.000000000e+00, v21;
	v21 =	vld [tilespmem:s29+$0xFFFFFFE0]  }
0x1f8: {  	v12 =	vmul.f32 v31, v28;
	v1 =	vadd.f32 v10, v1;
	v14 =	vmul.f32 v14, v23  }
0x1f9: {  	s31 =	simm.s32 $0x100;
	v13 =	vmul.f32 v13, v25;
	v23 =	vand.u32 $0xFFFFFF80, v18;
	v18 =	vand.u32 $0x7F, v18;
	v10 =	vld.idx.msk [tilespmem:v19+s16+$0x0], $0xffff  }
0x1fa: {  	v23 =	vadd.s32 s31, v23;
	v19 =	vadd.f32 v20, v20;
	v20 =	vmul.f32 v12, v12  }
0x1fb: {  	v27 =	vmul.f32 v37, v32;
	v29 =	vmul.f32 v24, v24;
	v18 =	vor.u32 v18, v23  }
0x1fc: {  	s25 =	simm.s32 $0x80;
	v9 =	vadd.f32 v13, v9;
	v23 =	vand.u32 $0xFFFFFF80, v21;
	v25 =	vmul.f32 $1.111111120e-01, v20  }
0x1fd: {  	v13 =	vmul.f32 v27, v27;
	v21 =	vand.u32 $0x7F, v21;
	v23 =	vadd.s32 s25, v23  }
0x1fe: {  	v21 =	vor.u32 v21, v23;
	v22 =	vadd.f32 $1.428571490e-01, v25;
	v28 =	vand.u32 $0x7FFFFFFF, v10  }
0x1ff: {  	v14 =	vadd.f32 v14, v4;
	v25 =	vmul.f32 $1.111111120e-01, v29;
	v23 =	vsub.f32 $0.0e+00, v28  }
0x200: {  	v4 =	vmul.f32 $1.111111120e-01, v13;
	v28 =	vadd.f32 $1.000000000e+00, v8;
	v8 =	vld.idx.msk [tilespmem:v18+s16+$0x0], $0xffff;
	v18 =	vmul.f32 v22, v20  }
0x201: {  	v2 =	vmul.f32 v2, v57;
	v22 =	vadd.f32 $1.428571490e-01, v25;
	v25 =	vld [tilespmem:s29+$0xFFFFFFD0];
	v23 =	vmul.f32 $1.442695020e+00, v23  }
0x202: {  	v24 =	vadd.f32 v24, v24;
	v1 =	vmul.f32 v1, v34;
	v18 =	vadd.f32 $2.000000030e-01, v18  }
0x203: {  	(erf) = vpow2.f32 v23;
	v23 =	vadd.f32 $1.428571490e-01, v4;
	v4 =	vld.idx.msk [tilespmem:v21+s16+$0x0], $0xffff;
	v21 =	vmul.f32 v22, v29  }
0x204: {  	v9 =	vmul.f32 v9, v26;
	v14 =	vmul.f32 v14, v35;
	v22 =	vadd.f32 v2, v1  }
0x205: {  	s26 =	simm.s32 $0x1A70;
	v2 =	vmul.f32 v18, v20;
	v18 =	vadd.f32 $2.000000030e-01, v21;
	v21 =	vand.u32 $0x7FFFFFFF, v8  }
0x206: {  	s28 =	simm.s32 $0x0;
	v26 =	vand.u32 $0xFFFFFF80, v25;
	v1 =	vmul.f32 v23, v13;
	v23 =	vld [tilespmem:s26+$0x0];
	v21 =	vsub.f32 $0.0e+00, v21  }
0x207: {  	v25 =	vand.u32 $0x7F, v25;
	v26 =	vadd.s32 s28, v26;
	v2 =	vadd.f32 $3.333333430e-01, v2  }
0x208: {  	v25 =	vor.u32 v25, v26;
	v1 =	vadd.f32 $2.000000030e-01, v1;
	v21 =	vmul.f32 $1.442695020e+00, v21  }
0x209: {  	v19 =	vmul.f32 v28, v19;
	v18 =	vmul.f32 v18, v29;
	v28 =	vand.u32 $0x7FFFFFFF, v4  }
0x20a: {  	v2 =	vmul.f32 v2, v20;
	v26 =	vsub.f32 $0.0e+00, v28;
	v1 =	vmul.f32 v1, v13  }
0x20b: {  	s29 =	simm.s32 $0x380;
	v18 =	vadd.f32 $3.333333430e-01, v18;
	(erf) = vpow2.f32 v21;
	v28 =	vand.u32 $0xFFFFFF80, v23  }
0x20c: {  	v23 =	vand.u32 $0x7F, v23;
	v26 =	vmul.f32 $1.442695020e+00, v26;
	v28 =	vadd.s32 s29, v28;
	v21 =	vpop (erf)  }
0x20d: {  	v1 =	vadd.f32 $3.333333430e-01, v1;
	v20 =	vld.idx.msk [tilespmem:v25+s16+$0x0], $0xffff;
	v23 =	vor.u32 v23, v28;
	v60 =	vadd.f32 $2.000000000e+00, v21  }
0x20e: {  	v9 =	vadd.f32 v14, v9;
	v14 =	vmul.f32 v18, v29;
	v18 =	vld [tilespmem:s26+$0xFFFFFFF0];
	(erf) = vpow2.f32 v26  }
0x20f: {  	v6 =	vadd.f32 v19, v6;
	v1 =	vmul.f32 v1, v13;
	(erf) = vrcp.f32 v60  }
0x210: {  	v0 =	vmax.f32 v0, $0.0e+00;
	v12 =	vadd.f32 v12, v12;
	v19 =	vadd.f32 $1.000000000e+00, v2;
	v13 =	vld [tilespmem:s26+$0xFFFFFFE0]  }
0x211: {  	v6 =	vmul.f32 v6, v17;
	v17 =	vadd.f32 v27, v27;
	v1 =	vadd.f32 $1.000000000e+00, v1  }
0x212: {  	v12 =	vmul.f32 v19, v12;
	v14 =	vadd.f32 $1.000000000e+00, v14;
	v19 =	vand.u32 $0x7FFFFFFF, v20;
	v2 =	vld.idx.msk [tilespmem:v23+s16+$0x0], $0xffff  }
0x213: {  	s30 =	simm.s32 $0x300;
	v1 =	vmul.f32 v1, v17;
	v17 =	vsub.f32 $0.0e+00, v19;
	v19 =	vand.u32 $0xFFFFFF80, v18  }
0x214: {  	v0 =	vadd.f32 v12, v0;
	v19 =	vadd.s32 s30, v19  }
0x215: {  	s31 =	simm.s32 $0x280;
	v14 =	vmul.f32 v14, v24;
	v18 =	vand.u32 $0x7F, v18;
	v24 =	vand.u32 $0xFFFFFF80, v13  }
0x216: {  	v13 =	vand.u32 $0x7F, v13;
	v23 =	vpop (erf);
	v18 =	vor.u32 v18, v19;
	v24 =	vadd.s32 s31, v24  }
0x217: {  	v3 =	vmax.f32 v3, $0.0e+00;
	v13 =	vor.u32 v13, v24;
	v19 =	vpop (erf);
	v24 =	vand.u32 $0x7FFFFFFF, v2  }
0x218: {  	v27 =	vld [tilespmem:s26+$0xFFFFFFD0];
	v0 =	vmul.f32 v0, v15;
	v25 =	vadd.f32 $2.000000000e+00, v19;
	v24 =	vsub.f32 $0.0e+00, v24;
	v26 =	vpop (erf)  }
0x219: {  	v17 =	vmul.f32 $1.442695020e+00, v17;
	v28 =	vadd.f32 $2.000000000e+00, v23;
	v21 =	vmul.f32 v26, v21  }
0x21a: {  	v11 =	vadd.f32 v14, v11;
	(erf) = vrcp.f32 v25;
	v12 =	vmul.f32 $1.442695020e+00, v24  }
0x21b: {  	v3 =	vadd.f32 v1, v3;
	v1 =	vld.idx.msk [tilespmem:v18+s16+$0x0], $0xffff;
	(erf) = vrcp.f32 v28;
	v18 =	vmul.f32 v21, v21  }
0x21c: {  	v7 =	vmul.f32 v11, v7;
	v13 =	vld.idx.msk [tilespmem:v13+s16+$0x0], $0xffff;
	(erf) = vpow2.f32 v17  }
0x21d: {  	s25 =	simm.s32 $0x200;
	(erf) = vpow2.f32 v12;
	v12 =	vand.u32 $0xFFFFFF80, v27;
	v14 =	vmul.f32 $1.111111120e-01, v18  }
0x21e: {  	v3 =	vmul.f32 v3, v16;
	v11 =	vadd.s32 s25, v12;
	v12 =	vand.u32 $0x7F, v27  }
0x21f: {  	v9 =	vadd.f32 v22, v9;
	v11 =	vor.u32 v12, v11;
	v12 =	vadd.f32 $1.428571490e-01, v14  }
0x220: {  	v0 =	vadd.f32 v6, v0;
	v3 =	vadd.f32 v7, v3;
	v6 =	vand.u32 $0x7FFFFFFF, v1  }
0x221: {  	v6 =	vsub.f32 $0.0e+00, v6;
	v7 =	vmul.f32 v12, v18;
	v12 =	vand.u32 $0x7FFFFFFF, v13  }
0x222: {  	v12 =	vsub.f32 $0.0e+00, v12  }
0x223: {  	v0 =	vadd.f32 v0, v3;
	v6 =	vmul.f32 $1.442695020e+00, v6;
	v3 =	vadd.f32 $2.000000030e-01, v7  }
0x224: {  	v5 =	vadd.f32 v9, v5;
	v9 =	vpop (erf)  }
0x225: {  	v11 =	vld.idx.msk [tilespmem:v11+s16+$0x0], $0xffff;
	v7 =	vpop (erf);
	v3 =	vmul.f32 v3, v18  }
0x226: {  	v15 =	vmul.f32 v7, v23;
	v7 =	vmul.f32 $1.442695020e+00, v12;
	v12 =	vpop (erf)  }
0x227: {  	v0 =	vadd.f32 v0, v5;
	(erf) = vpow2.f32 v6;
	v6 =	vpop (erf);
	v3 =	vadd.f32 $3.333333430e-01, v3  }
0x228: {  	s26 =	simm.s32 $0x1AB0;
	v16 =	vmul.f32 v15, v15;
	(erf) = vpow2.f32 v7;
	v7 =	vadd.f32 $2.000000000e+00, v6  }
0x229: {  	v5 =	vmax.f32 v4, $0.0e+00;
	v4 =	vld [tilespmem:s26+$0xFFFFFFF0];
	v14 =	vadd.f32 $2.000000000e+00, v12;
	v3 =	vmul.f32 v3, v18  }
0x22a: {  	v22 =	vand.u32 $0x7FFFFFFF, v11;
	v18 =	vld [tilespmem:s26+$0x0];
	v17 =	vmul.f32 $1.111111120e-01, v16;
	(erf) = vrcp.f32 v7  }
0x22b: {  	v7 =	vmax.f32 v20, $0.0e+00;
	v20 =	vsub.f32 $0.0e+00, v22;
	v22 =	vmul.f32 v9, v19  }
0x22c: {  	v9 =	vadd.f32 v21, v21;
	(erf) = vrcp.f32 v14;
	v19 =	vadd.f32 $1.000000000e+00, v3  }
0x22d: {  	v10 =	vmax.f32 v10, $0.0e+00;
	v3 =	vmax.f32 v13, $0.0e+00;
	v13 =	vld [tilespmem:s26+$0xFFFFFFE0]  }
0x22e: {  	s28 =	simm.s32 $0x500;
	v14 =	vadd.f32 $1.428571490e-01, v17;
	v17 =	vld [tilespmem:s26+$0xFFFFFFD0];
	v9 =	vmul.f32 v19, v9;
	v19 =	vand.u32 $0xFFFFFF80, v4  }
0x22f: {  	s29 =	simm.s32 $0x580;
	v4 =	vand.u32 $0x7F, v4;
	v19 =	vadd.s32 s28, v19;
	v23 =	vand.u32 $0xFFFFFF80, v18  }
0x230: {  	v21 =	vpop (erf);
	v18 =	vand.u32 $0x7F, v18;
	v4 =	vor.u32 v4, v19;
	v19 =	vadd.s32 s29, v23  }
0x231: {  	s30 =	simm.s32 $0x3A30;
	v28 =	vadd.f32 $2.000000000e+00, v21;
	v20 =	vmul.f32 $1.442695020e+00, v20;
	v18 =	vor.u32 v18, v19  }
0x232: {  	v27 =	vld [tilespmem:s30+$0x0];
	v14 =	vmul.f32 v14, v16;
	v10 =	vadd.f32 v9, v10;
	v25 =	vand.u32 $0xFFFFFF80, v13  }
0x233: {  	s31 =	simm.s32 $0x480;
	s25 =	simm.s32 $0x400;
	v13 =	vand.u32 $0x7F, v13;
	v23 =	vpop (erf);
	v24 =	vand.u32 $0xFFFFFF80, v17;
	v17 =	vand.u32 $0x7F, v17  }
0x234: {  	v25 =	vadd.s32 s31, v25;
	v19 =	vadd.f32 $2.000000000e+00, v23;
	v24 =	vadd.s32 s25, v24;
	v26 =	vpop (erf)  }
0x235: {  	v13 =	vor.u32 v13, v25;
	v25 =	vmul.f32 v22, v22;
	v26 =	vmul.f32 v26, v6;
	v6 =	vpop (erf)  }
0x236: {  	v17 =	vor.u32 v17, v24;
	(erf) = vrcp.f32 v19;
	v24 =	vmul.f32 v6, v12;
	v6 =	vld.idx.msk [tilespmem:v18+s16+$0x0], $0xffff  }
0x237: {  	v29 =	vadd.f32 $2.000000030e-01, v14;
	v12 =	vmul.f32 v10, v27;
	v14 =	vmul.f32 v26, v26  }
0x238: {  	(erf) = vrcp.f32 v28;
	v18 =	vmul.f32 v24, v24  }
0x239: {  	v9 =	vmax.f32 v11, $0.0e+00;
	v4 =	vld.idx.msk [tilespmem:v4+s16+$0x0], $0xffff;
	v10 =	vmul.f32 $1.111111120e-01, v25;
	v11 =	vmul.f32 $1.111111120e-01, v14  }
0x23a: {  	v28 =	vmul.f32 v29, v16;
	v19 =	vmul.f32 $1.111111120e-01, v18  }
0x23b: {  	v10 =	vadd.f32 $1.428571490e-01, v10;
	v11 =	vadd.f32 $1.428571490e-01, v11;
	v29 =	vand.u32 $0x7FFFFFFF, v6  }
0x23c: {  	v27 =	vmax.f32 v8, $0.0e+00;
	v61 =	vld.idx.msk [tilespmem:v13+s16+$0x0], $0xffff;
	v19 =	vadd.f32 $1.428571490e-01, v19;
	v13 =	vsub.f32 $0.0e+00, v29  }
0x23d: {  	v28 =	vadd.f32 $3.333333430e-01, v28;
	v10 =	vmul.f32 v10, v25;
	v11 =	vmul.f32 v11, v14  }
0x23e: {  	v8 =	vld.idx.msk [tilespmem:v17+s16+$0x0], $0xffff;
	v17 =	vand.u32 $0x7FFFFFFF, v4;
	v19 =	vmul.f32 v19, v18;
	v13 =	vmul.f32 $1.442695020e+00, v13  }
0x23f: {  	v17 =	vsub.f32 $0.0e+00, v17;
	v10 =	vadd.f32 $2.000000030e-01, v10  }
0x240: {  	(erf) = vpow2.f32 v20;
	v11 =	vadd.f32 $2.000000030e-01, v11;
	v19 =	vadd.f32 $2.000000030e-01, v19  }
0x241: {  	v29 =	vadd.f32 v15, v15;
	v10 =	vmul.f32 v10, v25;
	(erf) = vpow2.f32 v13  }
0x242: {  	v20 =	vand.u32 $0x7FFFFFFF, v61;
	v11 =	vmul.f32 v11, v14;
	v13 =	vpop (erf);
	v19 =	vmul.f32 v19, v18  }
0x243: {  	v16 =	vmul.f32 v28, v16;
	v63 =	vsub.f32 $0.0e+00, v20;
	v28 =	vadd.f32 $3.333333430e-01, v10;
	v62 =	vpop (erf)  }
0x244: {  	v20 =	vadd.f32 $3.333333430e-01, v11;
	v11 =	vmul.f32 v62, v21;
	v21 =	vadd.f32 $3.333333430e-01, v19  }
0x245: {  	v17 =	vmul.f32 $1.442695020e+00, v17;
	v15 =	vand.u32 $0x7FFFFFFF, v8;
	v10 =	vmul.f32 v13, v23  }
0x246: {  	v13 =	vadd.f32 $1.000000000e+00, v16;
	v16 =	vmul.f32 v21, v18;
	v18 =	vmul.f32 v28, v25  }
0x247: {  	v15 =	vsub.f32 $0.0e+00, v15;
	(erf) = vpow2.f32 v17;
	v23 =	vld [tilespmem:s30+$0xFFFFFFF0];
	v21 =	vmul.f32 $1.442695020e+00, v63  }
0x248: {  	v25 =	vadd.f32 v22, v22;
	v22 =	vmul.f32 v13, v29;
	v17 =	vadd.f32 $1.000000000e+00, v16  }
0x249: {  	v19 =	vadd.f32 v26, v26;
	v26 =	vadd.f32 $1.000000000e+00, v18  }
0x24a: {  	v13 =	vmul.f32 v11, v11;
	v28 =	vadd.f32 v24, v24;
	v24 =	vld [tilespmem:s30+$0xFFFFFFD0];
	v29 =	vadd.f32 v22, v27;
	v18 =	vpop (erf)  }
0x24b: {  	s23 =	simm.s32 $0x3A70;
	v22 =	vld [tilespmem:s30+$0xFFFFFFE0];
	v16 =	vmax.f32 v61, $0.0e+00;
	(erf) = vpow2.f32 v21;
	v25 =	vmul.f32 v26, v25;
	v21 =	vpop (erf)  }
0x24c: {  	s24 =	simm.s32 $0x3A70;
	s26 =	simm.s32 $0x1AF0;
	s25 =	simm.s32 $0xC;
	v26 =	vmul.f32 v17, v28;
	v23 =	vmul.f32 v29, v23;
	v27 =	vadd.f32 $2.000000000e+00, v21;
	v17 =	vmovc v10  }
.LBB2_8:
0x24d: {  	v28 =	vld [tilespmem:s26+$0xFFFFFFF0];
	p0 =	sne.s32 s25, $0x7C;
	v29 =	vadd.f32 $2.000000000e+00, v18;
	v30 =	vmul.f32 $1.111111120e-01, v13;
	v14 =	vmul.f32 v20, v14;
	s28 =	smov.u32 s25;
	s25 =	sadd.s32 $0x4, s25  }
0x24e: {  	v25 =	vadd.f32 v25, v5;
	v5 =	vmovc v3;
	v20 =	vld [tilespmem:s26+$0x0];
	(erf) = vrcp.f32 v27;
	v26 =	vadd.f32 v26, v7;
	v7 =	vmovc v9  }
0x24f: {  	v3 =	vmovc v16;
	v9 =	vld [tilespmem:s26+$0xFFFFFFE0];
	v27 =	vadd.f32 $1.428571490e-01, v30;
	v14 =	vadd.f32 $1.000000000e+00, v14;
	(erf) = vrcp.f32 v29  }
0x250: {  	v29 =	vmax.f32 v2, $0.0e+00;
	v22 =	vmul.f32 v25, v22;
	v2 =	vmovc v6;
	v16 =	vld [tilespmem:s26+$0xFFFFFFD0];
	v24 =	vmul.f32 v26, v24  }
0x251: {  	s28 =	sshll.u32 s28, $0x7;
	v12 =	vadd.f32 v12, v23;
	v6 =	vmul.f32 v27, v13;
	v19 =	vmul.f32 v14, v19  }
0x252: {  	s29 =	sadd.s32 $0x100, s28;
	v14 =	vand.u32 $0xFFFFFF80, v28;
	v23 =	vand.u32 $0x7F, v28;
	v25 =	vpop (erf);
	v22 =	vadd.f32 v22, v24  }
0x253: {  	v14 =	vadd.s32 s29, v14;
	v26 =	vand.u32 $0xFFFFFF80, v20;
	v20 =	vand.u32 $0x7F, v20;
	s29 =	sadd.s32 $0x180, s28  }
0x254: {  	v14 =	vor.u32 v23, v14;
	v23 =	vadd.s32 s29, v26;
	v24 =	vpop (erf);
	v12 =	vadd.f32 v12, v22  }
0x255: {  	s29 =	sadd.s32 $0x80, s28;
	v22 =	vand.u32 $0xFFFFFF80, v16;
	v20 =	vor.u32 v20, v23;
	v23 =	vadd.f32 $2.000000000e+00, v24  }
0x256: {  	v27 =	vand.u32 $0xFFFFFF80, v9;
	v22 =	vadd.s32 s28, v22;
	v0 =	vadd.f32 v12, v0  }
0x257: {  	v9 =	vand.u32 $0x7F, v9;
	v12 =	vand.u32 $0x7F, v16;
	v16 =	vadd.s32 s29, v27;
	v26 =	vpop (erf);
	v27 =	vld [tilespmem:s23+$0x0]  }
0x258: {  	v28 =	vadd.f32 $2.000000000e+00, v25;
	v21 =	vmul.f32 v26, v21;
	v26 =	vadd.f32 $2.000000030e-01, v6;
	v6 =	vpop (erf)  }
0x259: {  	v22 =	vor.u32 v12, v22;
	v16 =	vor.u32 v9, v16;
	v30 =	vld.idx.msk [tilespmem:v14+s16+$0x0], $0xffff;
	v31 =	vmul.f32 v6, v18  }
0x25a: {  	v12 =	vadd.f32 v19, v29;
	v6 =	vld.idx.msk [tilespmem:v20+s16+$0x0], $0xffff;
	v14 =	vmul.f32 v21, v21;
	(erf) = vrcp.f32 v23  }
0x25b: {  	v9 =	vmax.f32 v8, $0.0e+00;
	v23 =	vmul.f32 v17, v10;
	v18 =	vmul.f32 v31, v31  }
0x25c: {  	v17 =	vmul.f32 $1.111111120e-01, v14;
	v12 =	vmul.f32 v12, v27  }
0x25d: {  	v19 =	vmul.f32 $1.111111120e-01, v23;
	v27 =	vmax.f32 v1, $0.0e+00;
	v1 =	vmovc v4;
	(erf) = vrcp.f32 v28  }
0x25e: {  	v20 =	vmul.f32 $1.111111120e-01, v18;
	v8 =	vld.idx.msk [tilespmem:v22+s16+$0x0], $0xffff;
	v17 =	vadd.f32 $1.428571490e-01, v17;
	v22 =	vmul.f32 v26, v13  }
0x25f: {  	v15 =	vmul.f32 $1.442695020e+00, v15;
	v26 =	vand.u32 $0x7FFFFFFF, v30;
	v19 =	vadd.f32 $1.428571490e-01, v19;
	v4 =	vmovc v30  }
0x260: {  	v28 =	vand.u32 $0x7FFFFFFF, v6;
	v20 =	vadd.f32 $1.428571490e-01, v20;
	v16 =	vld.idx.msk [tilespmem:v16+s16+$0x0], $0xffff;
	v17 =	vmul.f32 v17, v14  }
0x261: {  	v30 =	vsub.f32 $0.0e+00, v28;
	v19 =	vmul.f32 v19, v23;
	v22 =	vadd.f32 $3.333333430e-01, v22  }
0x262: {  	v29 =	vadd.f32 v11, v11;
	v20 =	vmul.f32 v20, v18;
	v17 =	vadd.f32 $2.000000030e-01, v17  }
0x263: {  	v11 =	vmul.f32 $1.442695020e+00, v30;
	(erf) = vpow2.f32 v15;
	v28 =	vpop (erf);
	v15 =	vadd.f32 $2.000000030e-01, v19  }
0x264: {  	v33 =	vand.u32 $0x7FFFFFFF, v8;
	v20 =	vadd.f32 $2.000000030e-01, v20;
	v17 =	vmul.f32 v17, v14  }
0x265: {  	v26 =	vsub.f32 $0.0e+00, v26;
	(erf) = vpow2.f32 v11;
	v30 =	vmul.f32 v15, v23;
	v32 =	vld [tilespmem:s23+$0xFFFFFFF0]  }
0x266: {  	v15 =	vsub.f32 $0.0e+00, v33;
	v11 =	vand.u32 $0x7FFFFFFF, v16;
	v33 =	vmul.f32 v20, v18;
	v19 =	vpop (erf)  }
0x267: {  	v13 =	vmul.f32 v22, v13;
	v34 =	vsub.f32 $0.0e+00, v11;
	v20 =	vadd.f32 $3.333333430e-01, v17  }
0x268: {  	v11 =	vmul.f32 v19, v25;
	v22 =	vadd.f32 $3.333333430e-01, v33;
	v25 =	vadd.f32 $3.333333430e-01, v30  }
0x269: {  	v26 =	vmul.f32 $1.442695020e+00, v26;
	v13 =	vadd.f32 $1.000000000e+00, v13;
	v17 =	vmul.f32 v28, v24  }
0x26a: {  	s23 =	sadd.s32 $0x40, s23;
	v19 =	vadd.f32 v21, v21;
	v21 =	vmul.f32 v22, v18;
	v22 =	vmul.f32 v25, v23  }
.Ltmp3:
0x26b: {  	v24 =	vmul.f32 v13, v29;
	v23 =	vmul.f32 $1.442695020e+00, v34;
	v25 =	vadd.f32 v10, v10;
	v10 =	vmovc v17;
	(pc) =	sbr.rel @p0 .LBB2_8-.Ltmp3, $4  }
0x26c: {  	v28 =	vadd.f32 $1.000000000e+00, v22;
	(erf) = vpow2.f32 v26;
	v18 =	vpop (erf);
	v26 =	vadd.f32 $1.000000000e+00, v21  }
0x26d: {  	v29 =	vadd.f32 v31, v31;
	v30 =	vadd.f32 v24, v27;
	v13 =	vmul.f32 v11, v11;
	v22 =	vld [tilespmem:s24+$0xFFFFFFE0]  }
0x26e: {  	v16 =	vmax.f32 v16, $0.0e+00;
	v25 =	vmul.f32 v28, v25;
	(erf) = vpow2.f32 v23;
	v21 =	vpop (erf);
	v24 =	vld [tilespmem:s24+$0xFFFFFFD0];
	s24 =	smov.u32 s23  }
0x26f: {  	s26 =	sadd.s32 $0x40, s26;
	v26 =	vmul.f32 v26, v29;
	v23 =	vmul.f32 v30, v32;
	v27 =	vadd.f32 $2.000000000e+00, v21  }
0x270: {  	_ =	sdelay $0x5  }
0x271: {  	v28 =	vpop (erf)  }
0x272: {  	v29 =	vadd.f32 $2.000000000e+00, v18;
	v30 =	vpop (erf)  }
0x273: {  	(erf) = vrcp.f32 v27;
	v34 =	vadd.f32 $2.000000000e+00, v30  }
0x274: {  	v35 =	vadd.f32 $2.000000000e+00, v28;
	(erf) = vrcp.f32 v29  }
0x275: {  	v15 =	vmul.f32 $1.442695020e+00, v15;
	(erf) = vrcp.f32 v34  }
0x276: {  	(erf) = vrcp.f32 v35  }
0x277: {  	(erf) = vpow2.f32 v15;
	_ =	sdelay $0x3  }
0x278: {  	v31 =	vmul.f32 $1.111111120e-01, v13  }
0x279: {  	v17 =	vmul.f32 v17, v10;
	v36 =	vpop (erf)  }
0x27a: {  	v31 =	vadd.f32 $1.428571490e-01, v31;
	v37 =	vpop (erf)  }
0x27b: {  	v14 =	vmul.f32 v20, v14;
	v43 =	vmul.f32 $1.111111120e-01, v17;
	v38 =	vpop (erf)  }
0x27c: {  	v5 =	vadd.f32 v25, v5;
	v48 =	vmul.f32 v31, v13;
	v39 =	vpop (erf)  }
0x27d: {  	v14 =	vadd.f32 $1.000000000e+00, v14;
	v47 =	vadd.f32 $1.428571490e-01, v43;
	v40 =	vpop (erf)  }
0x27e: {  	v51 =	vadd.f32 $2.000000030e-01, v48;
	v41 =	vadd.f32 $2.000000000e+00, v40  }
0x27f: {  	v7 =	vadd.f32 v26, v7;
	v14 =	vmul.f32 v14, v19;
	v50 =	vmul.f32 v47, v17  }
0x280: {  	v2 =	vmax.f32 v2, $0.0e+00;
	v55 =	vmul.f32 v51, v13;
	(erf) = vrcp.f32 v41  }
0x281: {  	v5 =	vmul.f32 v5, v22;
	v7 =	vmul.f32 v7, v24;
	v54 =	vadd.f32 $2.000000030e-01, v50  }
0x282: {  	v2 =	vadd.f32 v14, v2;
	v14 =	vadd.f32 $3.333333430e-01, v55  }
0x283: {  	v8 =	vmax.f32 v8, $0.0e+00;
	v5 =	vadd.f32 v5, v7;
	v7 =	vmul.f32 v54, v17  }
0x284: {  	v11 =	vadd.f32 v11, v11;
	v1 =	vmax.f32 v1, $0.0e+00;
	v62 =	vmul.f32 v14, v13  }
0x285: {  	v6 =	vmax.f32 v6, $0.0e+00;
	v7 =	vadd.f32 $3.333333430e-01, v7;
	v18 =	vmul.f32 v37, v18  }
0x286: {  	v12 =	vadd.f32 v12, v23;
	v13 =	vadd.f32 $1.000000000e+00, v62;
	v15 =	vmul.f32 v36, v21  }
0x287: {  	v4 =	vmax.f32 v4, $0.0e+00;
	v7 =	vmul.f32 v7, v17;
	v42 =	vmul.f32 v18, v18  }
0x288: {  	v5 =	vadd.f32 v12, v5;
	v11 =	vmul.f32 v13, v11;
	v26 =	vmul.f32 v15, v15  }
0x289: {  	v7 =	vadd.f32 $1.000000000e+00, v7;
	v60 =	vmul.f32 v38, v30;
	v46 =	vmul.f32 $1.111111120e-01, v42;
	v59 =	vpop (erf)  }
0x28a: {  	v15 =	vadd.f32 v15, v15;
	v58 =	vmul.f32 v39, v28;
	v20 =	vmul.f32 v59, v40  }
0x28b: {  	v32 =	vmul.f32 $1.111111120e-01, v26;
	v33 =	vmul.f32 v60, v60;
	v49 =	vadd.f32 $1.428571490e-01, v46  }
0x28c: {  	v37 =	vadd.f32 v10, v10;
	v61 =	vmul.f32 v58, v58;
	v63 =	vmul.f32 v20, v20  }
0x28d: {  	v1 =	vadd.f32 v11, v1;
	v35 =	vmul.f32 $1.111111120e-01, v33;
	v53 =	vmul.f32 v49, v42  }
0x28e: {  	v44 =	vld [tilespmem:s23+$0x0];
	v45 =	vadd.f32 $1.428571490e-01, v32;
	v32 =	vmul.f32 $1.111111120e-01, v61;
	v34 =	vmul.f32 $1.111111120e-01, v63  }
0x28f: {  	v7 =	vmul.f32 v7, v37;
	v36 =	vadd.f32 $1.428571490e-01, v35;
	v57 =	vadd.f32 $2.000000030e-01, v53  }
0x290: {  	v27 =	vmul.f32 v45, v26;
	v24 =	vadd.f32 $1.428571490e-01, v32;
	v28 =	vadd.f32 $1.428571490e-01, v34  }
0x291: {  	v3 =	vadd.f32 v7, v3;
	v25 =	vmul.f32 v36, v33;
	v22 =	vmul.f32 v57, v42  }
0x292: {  	v51 =	vld [tilespmem:s24+$0xFFFFFFE0];
	v52 =	vadd.f32 $2.000000030e-01, v27;
	v24 =	vmul.f32 v24, v61;
	v38 =	vmul.f32 v28, v63  }
0x293: {  	v2 =	vmul.f32 v2, v44;
	v43 =	vadd.f32 $2.000000030e-01, v25;
	v22 =	vadd.f32 $3.333333430e-01, v22  }
0x294: {  	v56 =	vmul.f32 v52, v26;
	v24 =	vadd.f32 $2.000000030e-01, v24;
	v40 =	vadd.f32 $2.000000030e-01, v38  }
0x295: {  	v21 =	vadd.f32 v60, v60;
	v47 =	vmul.f32 v43, v33;
	v22 =	vmul.f32 v22, v42  }
0x296: {  	v19 =	vadd.f32 $3.333333430e-01, v56;
	v42 =	vmul.f32 v24, v61;
	v44 =	vmul.f32 v40, v63  }
0x297: {  	v39 =	vld [tilespmem:s23+$0xFFFFFFF0];
	v12 =	vadd.f32 v58, v58;
	v3 =	vmul.f32 v3, v51;
	v50 =	vadd.f32 $3.333333430e-01, v47  }
0x298: {  	v19 =	vmul.f32 v19, v26;
	v46 =	vadd.f32 $3.333333430e-01, v42;
	v10 =	vadd.f32 $3.333333430e-01, v44  }
0x299: {  	s31 =	sadd.s32 $0x40, s23;
	v48 =	vld [tilespmem:s24+$0xFFFFFFD0];
	v41 =	vadd.f32 v18, v18;
	v22 =	vadd.f32 $1.000000000e+00, v22;
	v13 =	vmul.f32 v50, v33  }
0x29a: {  	v54 =	vld [tilespmem:s31+$0xFFFFFFF0];
	v52 =	vadd.f32 $1.000000000e+00, v19;
	v49 =	vmul.f32 v46, v61;
	v10 =	vmul.f32 v10, v63  }
0x29b: {  	v53 =	vld [tilespmem:s31+$0x0];
	v55 =	vadd.f32 v20, v20;
	v45 =	vmul.f32 v22, v41;
	v13 =	vadd.f32 $1.000000000e+00, v13  }
0x29c: {  	v1 =	vmul.f32 v1, v39;
	v56 =	vld [tilespmem:s31+$0xFFFFFFE0];
	v11 =	vadd.f32 $1.000000000e+00, v49;
	v10 =	vadd.f32 $1.000000000e+00, v10  }
0x29d: {  	v58 =	vld [tilespmem:s31+$0xFFFFFFD0];
	v7 =	vmul.f32 v52, v15;
	v9 =	vadd.f32 v45, v9;
	v59 =	vmul.f32 v13, v21  }
0x29e: {  	v1 =	vadd.f32 v2, v1;
	v57 =	vmul.f32 v11, v12;
	v10 =	vmul.f32 v10, v55  }
0x29f: {  	v6 =	vadd.f32 v7, v6;
	v9 =	vmul.f32 v9, v48;
	v61 =	vadd.f32 v59, v16  }
0x2a0: {  	v2 =	vadd.f32 v57, v4;
	v60 =	vadd.f32 v10, v8  }
0x2a1: {  	v6 =	vmul.f32 v6, v53;
	v3 =	vadd.f32 v3, v9;
	v7 =	vmul.f32 v61, v56  }
0x2a2: {  	v2 =	vmul.f32 v2, v54;
	v4 =	vmul.f32 v60, v58  }
0x2a3: {  	v0 =	vadd.f32 v5, v0;
	v1 =	vadd.f32 v1, v3  }
0x2a4: {  	v2 =	vadd.f32 v6, v2;
	v62 =	vadd.f32 v7, v4;
	_ =	sdelay $0x1  }
0x2a5: {  	v0 =	vadd.f32 v1, v0;
	v63 =	vadd.f32 v2, v62;
	_ =	sdelay $0x1  }
0x2a6: {  	v0 =	vadd.f32 v63, v0;
	_ =	sdelay $0x1  }
0x2a7: {  	s22 =	sadd.s32 $0x1, s22;
	v0 =	vmul.f32 $6.103515630e-05, v0  }
0x2a8: {  	p0 =	sne.s32 s22, s8  }
.Ltmp4:
0x2a9: {  	[tilespmem:$0xC200] =	vst v0;
	(pc) =	sbr.rel @p0 .LBB2_1-.Ltmp4, $4  }
0x2aa: {  	[hbm4b:s7+s2] =	stream.linear.scatter [tilespmem:s21], [sflag:$0x4], $0x80, $0x38;
	[tilespmem:$0xC280] =	vst v63  }
0x2ab: {  	_ =	swait.ge [sflag:s9], $0x80  }
0x2ac: {  	[sflag:s9] =	ssyncset.done $0x0  }
0x2ad: {  	[sflag:s9] =	ssyncadd.s32 $0xFFFFFF80  }
0x2ae: {  	_ =	sfence.sel $0x180000  }
0x2af: {  	[bflag:$0x0] =	sbarrier.arrive $0xFFFF  }
0x2b0: {  	p0 =	sne.s32 s0, $0x0;
	_ =	strace $0x90000047  }
0x2b1: {  	s0 =	sadd.s32 @!p0 $0x100000, s1;
	[bflag:$0x2] =	sbarrier.arrive $0xFFFF  }
0x2b2: {  	[sflag:s0] =	ssyncadd.tile.s32 @!p0 $0x1;
	_ =	shalt  }
.Lfunc_end2:
_tile_overlayer_lowered:
.L_overlay_start_2:
0x2b3: {  	(tag) =	ssettag $0x2  }
0x2b4: {  	s0 =	rddreg [dreg:$0x0];
	s2 =	stileid.u32  }
0x2b5: {  	s1 =	rddreg [dreg:$0x1];
	p0 =	sne.s32 s2, $0x0  }
0x2b6: {  	s3 =	rddreg [dreg:$0x2];
	[bflag:$0x3] =	sbarrier.arrive $0xFFFF;
	s2 =	simm.s32 @!p0 $0x1C04  }
0x2b7: {  	[timem:s3], [sflag:s2] =	dma.local @!p0 [hbm:s0], s1  }
0x2b8: {  	s0 =	simm.s32 @!p0 $0x4  }
0x2b9: {  	_ =	swait.ge @!p0 [sflag:s0], s1  }
0x2ba: {  	s1 =	ssub.s32 @!p0 $0x0, s1;
	[sflag:s0] =	ssyncset.done @!p0 $0x0  }
0x2bb: {  	[sflag:s0] =	ssyncadd.s32 @!p0 s1  }
0x2bc: {  	[bflag:$0x3] =	sbarrier.arrive $0xFFFF  }
0x2bd: {  	_ =	shalt  }

</sc_bundles>
